<compile_context>
chip_gen: v7x
topology: tpu7x:2x2x1
jax: 0.10.2.dev20260603
libtpu: 0.0.44.dev20260713+nightly
codegen_flags: <defaults>
</compile_context>

<pallas_src>
import functools

import jax
import jax.numpy as jnp
from jax import lax
from jax.experimental import pallas as pl
from jax.experimental.pallas import tpu as pltpu
from jax.experimental.pallas import tpu_sc as plsc

B = 16
VPM = 5850
V = B * VPM
E = 280704

NC = 2
NS = 16
NW = NC * NS

VPMP = 5888
RT = B * VPMP
D = 16
CH = 128
EP = 282624
EPW = EP // NW
CHUNKS = EPW // CH
RPT = RT // NS
NB = 3

PR = RT // 8
PRM = VPMP // 8
PBR = 16
GRIDF = PRM // PBR


def _leaky_relu(x):
    return jnp.where(x >= 0, x, 0.01 * x)


@functools.lru_cache(maxsize=None)
def _make_spmv():
    mesh = plsc.VectorSubcoreMesh(core_axis_name="c", subcore_axis_name="s")

    @functools.partial(
        pl.kernel,
        out_type=jax.ShapeDtypeStruct((NC, RT, D), jnp.float32),
        mesh=mesh,
        compiler_params=pltpu.CompilerParams(use_tc_tiling_on_sc=False,
                                             skip_device_barrier=True),
        scratch_types=[
            pltpu.VMEM_SHARED((RT, D), jnp.float32),
            pltpu.VMEM((CHUNKS, CH), jnp.int32),
            pltpu.VMEM((CHUNKS, CH), jnp.int32),
            [pltpu.VMEM((CH, D), jnp.float32) for _ in range(NB)],
            [pltpu.VMEM((CH, D), jnp.float32) for _ in range(NB)],
            pltpu.VMEM((CH, D), jnp.float32),
            [pltpu.SemaphoreType.DMA for _ in range(NB)],
            [pltpu.SemaphoreType.DMA for _ in range(NB)],
        ],
    )
    def spmv(table_hbm, src_hbm, dst_hbm, out_hbm,
             acc_sp, idx_s, idx_d, rows_d, rows_s, ztile, sem_d, sem_s):
        c = lax.axis_index("c")
        s = lax.axis_index("s")
        w = s * NC + c

        pltpu.sync_copy(src_hbm.at[w], idx_s)
        pltpu.sync_copy(dst_hbm.at[w], idx_d)

        def zrow(i, carry):
            ztile[i, :] = jnp.zeros((D,), jnp.float32)
            return carry

        lax.fori_loop(0, CH, zrow, 0)

        def zcopy(k, carry):
            pltpu.sync_copy(ztile, acc_sp.at[pl.ds(s * RPT + k * CH, CH)])
            return carry

        lax.fori_loop(0, RPT // CH, zcopy, 0)
        plsc.subcore_barrier()

        def body(j, carry):
            base = j * NB
            cps = []
            for b in range(NB):
                i = base + b
                cps.append((
                    pltpu.async_copy(table_hbm.at[idx_d.at[i]], rows_d[b],
                                     sem_d[b]),
                    pltpu.async_copy(table_hbm.at[idx_s.at[i]], rows_s[b],
                                     sem_s[b]),
                ))
            for b in range(NB):
                i = base + b
                cps[b][0].wait()
                pltpu.sync_copy(rows_d[b], acc_sp.at[idx_s.at[i]], add=True)
                cps[b][1].wait()
                pltpu.sync_copy(rows_s[b], acc_sp.at[idx_d.at[i]], add=True)
            return carry

        lax.fori_loop(0, CHUNKS // NB, body, 0)
        plsc.subcore_barrier()
        pltpu.sync_copy(acc_sp.at[pl.ds(s * RPT, RPT)],
                        out_hbm.at[c, pl.ds(s * RPT, RPT)])

    return spmv


def _dense1_body(vaug_ref, acc_ref, w1_ref, w2_ref, out_ref):
    sfull = acc_ref[0] + acc_ref[1]
    x = jnp.dot(vaug_ref[...], w1_ref[...], preferred_element_type=jnp.float32)
    x += jnp.dot(sfull, w2_ref[...], preferred_element_type=jnp.float32)
    out_ref[...] = _leaky_relu(x)


def _dense1(vaug_pk, acc_pk, bdw1c, bdw2c):
    return pl.pallas_call(
        _dense1_body,
        grid=(B,),
        in_specs=[
            pl.BlockSpec((PRM, 128), lambda i: (i, 0)),
            pl.BlockSpec((NC, PRM, 128), lambda i: (0, i, 0)),
            pl.BlockSpec((128, 128), lambda i: (0, 0)),
            pl.BlockSpec((128, 128), lambda i: (0, 0)),
        ],
        out_specs=pl.BlockSpec((PRM, 128), lambda i: (i, 0)),
        out_shape=jax.ShapeDtypeStruct((PR, 128), jnp.float32),
    )(vaug_pk, acc_pk, bdw1c, bdw2c)


def _dense2_body(x1_ref, acc_ref, w1_ref, w2_ref, f_ref, fb_ref, out_ref):
    sfull = acc_ref[0] + acc_ref[1]
    x2 = jnp.dot(x1_ref[...], w1_ref[...], preferred_element_type=jnp.float32)
    x2 += jnp.dot(sfull, w2_ref[...], preferred_element_type=jnp.float32)
    x2 = _leaky_relu(x2)
    x3 = jnp.dot(x2, f_ref[...], preferred_element_type=jnp.float32)
    x3 += fb_ref[...]
    x3 = _leaky_relu(x3)
    r_iota = lax.broadcasted_iota(jnp.int32, (PRM, 128), 0)
    l_iota = lax.broadcasted_iota(jnp.int32, (PRM, 128), 1)
    u = r_iota * 8 + l_iota // D
    out_ref[...] = jnp.where(u < VPM, x3, 0.0)


def _dense2(x1_pk, acc_pk, bdw1d, bdw2d, bdf, fb_bcast):
    return pl.pallas_call(
        _dense2_body,
        grid=(B,),
        in_specs=[
            pl.BlockSpec((PRM, 128), lambda i: (i, 0)),
            pl.BlockSpec((NC, PRM, 128), lambda i: (0, i, 0)),
            pl.BlockSpec((128, 256), lambda i: (0, 0)),
            pl.BlockSpec((128, 256), lambda i: (0, 0)),
            pl.BlockSpec((256, 128), lambda i: (0, 0)),
            pl.BlockSpec((1, 128), lambda i: (0, 0)),
        ],
        out_specs=pl.BlockSpec((PRM, 128), lambda i: (i, 0)),
        out_shape=jax.ShapeDtypeStruct((PR, 128), jnp.float32),
    )(x1_pk, acc_pk, bdw1d, bdw2d, bdf, fb_bcast)


def _fc2_body(x_ref, w_ref, b_ref, out_ref):
    i = pl.program_id(0)

    @pl.when(i == 0)
    def _init():
        out_ref[...] = jnp.zeros_like(out_ref)

    part = lax.dot_general(
        x_ref[...], w_ref[...],
        dimension_numbers=(((2,), (1,)), ((1,), (0,))),
        preferred_element_type=jnp.float32,
    )
    out_ref[...] += jnp.sum(part, axis=0)

    @pl.when(i == GRIDF - 1)
    def _finish():
        z = out_ref[...] + b_ref[...]
        m = jnp.max(z, axis=1, keepdims=True)
        e = jnp.exp(z - m)
        out_ref[...] = e / jnp.sum(e, axis=1, keepdims=True)


def _fc2(x3v, w3v, fc2_b):
    return pl.pallas_call(
        _fc2_body,
        grid=(GRIDF,),
        in_specs=[
            pl.BlockSpec((B, PBR, 128), lambda i: (0, i, 0)),
            pl.BlockSpec((PBR, 128, 64), lambda i: (i, 0, 0)),
            pl.BlockSpec((1, 64), lambda i: (0, 0)),
        ],
        out_specs=pl.BlockSpec((B, 64), lambda i: (0, 0)),
        out_shape=jax.ShapeDtypeStruct((B, 64), jnp.float32),
    )(x3v, w3v, fc2_b)


@jax.jit
def kernel(verts, edges, w0a, b0a, w1a, b1a, w0b, b0b, w1b, b1b,
           fc1_w, fc1_b, fc2_w, fc2_b):
    f32 = jnp.float32
    eye8 = jnp.eye(8, dtype=f32)

    va = jnp.concatenate([verts.astype(f32), jnp.ones((V, 1), f32)], axis=1)
    va = va.reshape(B, VPM, 4)
    va = jnp.pad(va, ((0, 0), (0, VPMP - VPM), (0, D - 4)))
    vaug_pk = va.reshape(PR, 128)
    vaug_t = vaug_pk.reshape(RT, D)

    src = edges[:, 0]
    dst = edges[:, 1]
    src = src + 38 * (src // VPM)
    dst = dst + 38 * (dst // VPM)
    i = jnp.arange(EP - E, dtype=jnp.int32)
    padidx = (i % B) * VPMP + VPM + (i // B) % (VPMP - VPM)
    srcp = jnp.concatenate([src, padidx]).reshape(NW, CHUNKS, CH)
    dstp = jnp.concatenate([dst, padidx]).reshape(NW, CHUNKS, CH)

    w1c = jnp.zeros((D, D), f32)
    w1c = w1c.at[:3, :5].set(w0a).at[3, :5].set(b0a).at[3, 5].set(1.0)
    w2c = jnp.zeros((D, D), f32)
    w2c = w2c.at[:3, :5].set(w1a).at[3, :5].set(b1a)
    bdw1c = jnp.kron(eye8, w1c)
    bdw2c = jnp.kron(eye8, w2c)

    w1d = jnp.zeros((D, 32), f32)
    w1d = w1d.at[:5, :20].set(w0b).at[5, :20].set(b0b)
    w2d = jnp.zeros((D, 32), f32)
    w2d = w2d.at[:5, :20].set(w1b).at[5, :20].set(b1b)
    bdw1d = jnp.kron(eye8, w1d)
    bdw2d = jnp.kron(eye8, w2d)
    fpad = jnp.zeros((32, D), f32).at[:20, :10].set(fc1_w)
    bdf = jnp.kron(eye8, fpad)
    fb_bcast = jnp.tile(jnp.pad(fc1_b, (0, D - 10)), 8)[None, :]

    fw = fc2_w.reshape(VPM, 10, 64)
    fw = jnp.pad(fw, ((0, VPMP - VPM), (0, D - 10), (0, 0)))
    w3v = fw.reshape(PRM, 128, 64)

    spmv = _make_spmv()
    acc1 = spmv(vaug_t, srcp, dstp)
    acc1_pk = acc1.reshape(NC, PR, 128)
    x1_pk = _dense1(vaug_pk, acc1_pk, bdw1c, bdw2c)

    acc2 = spmv(x1_pk.reshape(RT, D), srcp, dstp)
    acc2_pk = acc2.reshape(NC, PR, 128)
    x3_pk = _dense2(x1_pk, acc2_pk, bdw1d, bdw2d, bdf, fb_bcast)

    x3v = x3_pk.reshape(B, PRM, 128)
    return _fc2(x3v, w3v, fc2_b[None, :])

# --- scband reference (transcript-rebuilt; emitter-appended) ---
"""Pipeline reference for scband-test-net-24068996727264 (READ-ONLY COPY).

The authoritative reference and input builder live on the scoring server;
editing this copy changes nothing except your own understanding.
"""

import jax, jax.numpy as jnp
import numpy as np

B = 16
VPM = 5850
V = B * VPM
E = 280704


def setup_inputs(seed: int = 0) -> dict:
    key = jax.random.key(seed)
    ks = jax.random.split(key, 16)
    verts = jax.random.normal(ks[0], (V, 3), dtype=jnp.float32)
    edges = jax.random.randint(ks[1], (E, 2), 0, V, dtype=jnp.int32)
    # GraphConv1: input_dim=3, output_dim=5 (w0 self-term, w1 neighbor-term, each with bias)
    w0a = jax.random.normal(ks[2], (3, 5), dtype=jnp.float32) * 0.1
    b0a = jax.random.normal(ks[3], (5,), dtype=jnp.float32) * 0.1
    w1a = jax.random.normal(ks[4], (3, 5), dtype=jnp.float32) * 0.1
    b1a = jax.random.normal(ks[5], (5,), dtype=jnp.float32) * 0.1
    # GraphConv2: input_dim=5, output_dim=20
    w0b = jax.random.normal(ks[6], (5, 20), dtype=jnp.float32) * 0.1
    b0b = jax.random.normal(ks[7], (20,), dtype=jnp.float32) * 0.1
    w1b = jax.random.normal(ks[8], (5, 20), dtype=jnp.float32) * 0.1
    b1b = jax.random.normal(ks[9], (20,), dtype=jnp.float32) * 0.1
    # fc1: Linear(20, 10)
    fc1_w = jax.random.normal(ks[10], (20, 10), dtype=jnp.float32) * 0.1
    fc1_b = jax.random.normal(ks[11], (10,), dtype=jnp.float32) * 0.1
    # fc2: Linear(5850*10, 64)
    fc2_w = jax.random.normal(ks[12], (VPM * 10, 64), dtype=jnp.float32) * 0.01
    fc2_b = jax.random.normal(ks[13], (64,), dtype=jnp.float32) * 0.01
    return {"verts": verts, "edges": edges,
            "w0a": w0a, "b0a": b0a, "w1a": w1a, "b1a": b1a,
            "w0b": w0b, "b0b": b0b, "w1b": w1b, "b1b": b1b,
            "fc1_w": fc1_w, "fc1_b": fc1_b, "fc2_w": fc2_w, "fc2_b": fc2_b}


def _leaky(x):
    return jnp.where(x >= 0, x, 0.01 * x)


def _graph_conv(x, edges, w0, b0, w1, b1):
    # pytorch3d.ops.GraphConv (undirected): out = lin0(x) + scatter-add of lin1(x) over both edge directions
    y0 = x @ w0 + b0
    y1 = x @ w1 + b1
    src = edges[:, 0]
    dst = edges[:, 1]
    agg = jnp.zeros_like(y0)
    agg = agg.at[src].add(y1[dst])
    agg = agg.at[dst].add(y1[src])
    return y0 + agg


def reference(verts, edges, w0a, b0a, w1a, b1a, w0b, b0b, w1b, b1b, fc1_w, fc1_b, fc2_w, fc2_b):
    x = _leaky(_graph_conv(verts, edges, w0a, b0a, w1a, b1a))
    x = _leaky(_graph_conv(x, edges, w0b, b0b, w1b, b1b))
    # split by verts_per_mesh (uniform 5850) and stack -> [B, VPM, 20]
    x = x.reshape(B, VPM, 20)
    x = _leaky(x @ fc1_w + fc1_b)
    x = x.reshape(B, VPM * 10)
    x = x @ fc2_w + fc2_b
    return jax.nn.softmax(x, axis=1)

if __name__ == "__main__":
    import jax
    _d = setup_inputs()
    print(jax.jit(kernel)(*tuple(_d.values())))

</pallas_src>

<mosaic_0001>
#map = affine_map<(d0, d1) -> (0, 0)>
#map1 = affine_map<(d0, d1) -> (0, 0, 0)>
module attributes {stable_mosaic.version = 14 : i64} {
  func.func @spmv(%arg0: i32, %arg1: i32, %arg2: memref<94208x16xf32, #tpu.memory_space<hbm>>, %arg3: memref<32x69x128xi32, #tpu.memory_space<hbm>>, %arg4: memref<32x69x128xi32, #tpu.memory_space<hbm>>, %arg5: memref<2x94208x16xf32, #tpu.memory_space<hbm>>, %arg6: memref<94208x16xf32, #tpu.memory_space<vmem_shared>>, %arg7: memref<69x128xi32, #tpu.memory_space<vmem>>, %arg8: memref<69x128xi32, #tpu.memory_space<vmem>>, %arg9: memref<128x16xf32, #tpu.memory_space<vmem>>, %arg10: memref<128x16xf32, #tpu.memory_space<vmem>>, %arg11: memref<128x16xf32, #tpu.memory_space<vmem>>, %arg12: memref<128x16xf32, #tpu.memory_space<vmem>>, %arg13: memref<128x16xf32, #tpu.memory_space<vmem>>, %arg14: memref<128x16xf32, #tpu.memory_space<vmem>>, %arg15: memref<128x16xf32, #tpu.memory_space<vmem>>, %arg16: memref<!tpu.dma_semaphore, #tpu.memory_space<semaphore_mem>>, %arg17: memref<!tpu.dma_semaphore, #tpu.memory_space<semaphore_mem>>, %arg18: memref<!tpu.dma_semaphore, #tpu.memory_space<semaphore_mem>>, %arg19: memref<!tpu.dma_semaphore, #tpu.memory_space<semaphore_mem>>, %arg20: memref<!tpu.dma_semaphore, #tpu.memory_space<semaphore_mem>>, %arg21: memref<!tpu.dma_semaphore, #tpu.memory_space<semaphore_mem>>) attributes {dimension_semantics = [#tpu.dimension_semantics<core_parallel>, #tpu.dimension_semantics<subcore_parallel>], iteration_bounds = array<i64: 2, 16>, scalar_prefetch = 0 : i64, scratch_operands = 16 : i64, tpu.core_type = #tpu.core_type<sc_vector_subcore>, window_params = [{transform_indices = #map}, {transform_indices = #map1}, {transform_indices = #map1}, {transform_indices = #map1}]} {
    %mul3A = arith.constant 2 : i32
    %mul3A_0 = arith.muli %arg1, %mul3A : i32
    %add3A = arith.addi %mul3A_0, %arg0 : i32
    "tpu.region"() ({
      %run_scoped3A = tpu.sem_alloc : memref<!tpu.dma_semaphore, #tpu.memory_space<semaphore_mem>>
      %dma_start3A = arith.constant 0 : i32
      %dma_start3A_23 = arith.constant 0 : i32
      %dma_start3A_24 = tpu.memref_slice %arg3[%add3A, %dma_start3A, %dma_start3A_23] : memref<32x69x128xi32, #tpu.memory_space<hbm>> -> memref<1x69x128xi32, #tpu.memory_space<hbm>>
      %dma_start3A_25 = tpu.memref_squeeze %dma_start3A_24 : memref<1x69x128xi32, #tpu.memory_space<hbm>> -> memref<69x128xi32, #tpu.memory_space<hbm>>
      %dma_start3A_26 = arith.constant 0 : i32
      %dma_start3A_27 = arith.constant 0 : i32
      %dma_start3A_28 = tpu.memref_slice %arg3[%add3A, %dma_start3A_26, %dma_start3A_27] : memref<32x69x128xi32, #tpu.memory_space<hbm>> -> memref<1x69x128xi32, #tpu.memory_space<hbm>>
      %dma_start3A_29 = tpu.memref_squeeze %dma_start3A_28 : memref<1x69x128xi32, #tpu.memory_space<hbm>> -> memref<69x128xi32, #tpu.memory_space<hbm>>
      tpu.enqueue_dma source(%dma_start3A_29 : memref<69x128xi32, #tpu.memory_space<hbm>>) target(%arg7 : memref<69x128xi32, #tpu.memory_space<vmem>>) target_semaphore(%run_scoped3A : memref<!tpu.dma_semaphore, #tpu.memory_space<semaphore_mem>>)
      %dma_wait3A = arith.constant 0 : i32
      %dma_wait3A_30 = arith.constant 0 : i32
      %dma_wait3A_31 = tpu.memref_slice %arg3[%add3A, %dma_wait3A, %dma_wait3A_30] : memref<32x69x128xi32, #tpu.memory_space<hbm>> -> memref<1x69x128xi32, #tpu.memory_space<hbm>>
      %dma_wait3A_32 = tpu.memref_squeeze %dma_wait3A_31 : memref<1x69x128xi32, #tpu.memory_space<hbm>> -> memref<69x128xi32, #tpu.memory_space<hbm>>
      %dma_wait3A_33 = arith.constant 0 : i32
      %dma_wait3A_34 = arith.constant 0 : i32
      %dma_wait3A_35 = tpu.memref_slice %arg3[%add3A, %dma_wait3A_33, %dma_wait3A_34] : memref<32x69x128xi32, #tpu.memory_space<hbm>> -> memref<1x69x128xi32, #tpu.memory_space<hbm>>
      %dma_wait3A_36 = tpu.memref_squeeze %dma_wait3A_35 : memref<1x69x128xi32, #tpu.memory_space<hbm>> -> memref<69x128xi32, #tpu.memory_space<hbm>>
      tpu.wait_dma2 semaphore(%run_scoped3A : memref<!tpu.dma_semaphore, #tpu.memory_space<semaphore_mem>>) src(%dma_wait3A_36 : memref<69x128xi32, #tpu.memory_space<hbm>>) dst(%arg7 : memref<69x128xi32, #tpu.memory_space<vmem>>)
      tpu.yield
    }) : () -> ()
    "tpu.region"() ({
      %run_scoped3A = tpu.sem_alloc : memref<!tpu.dma_semaphore, #tpu.memory_space<semaphore_mem>>
      %dma_start3A = arith.constant 0 : i32
      %dma_start3A_23 = arith.constant 0 : i32
      %dma_start3A_24 = tpu.memref_slice %arg4[%add3A, %dma_start3A, %dma_start3A_23] : memref<32x69x128xi32, #tpu.memory_space<hbm>> -> memref<1x69x128xi32, #tpu.memory_space<hbm>>
      %dma_start3A_25 = tpu.memref_squeeze %dma_start3A_24 : memref<1x69x128xi32, #tpu.memory_space<hbm>> -> memref<69x128xi32, #tpu.memory_space<hbm>>
      %dma_start3A_26 = arith.constant 0 : i32
      %dma_start3A_27 = arith.constant 0 : i32
      %dma_start3A_28 = tpu.memref_slice %arg4[%add3A, %dma_start3A_26, %dma_start3A_27] : memref<32x69x128xi32, #tpu.memory_space<hbm>> -> memref<1x69x128xi32, #tpu.memory_space<hbm>>
      %dma_start3A_29 = tpu.memref_squeeze %dma_start3A_28 : memref<1x69x128xi32, #tpu.memory_space<hbm>> -> memref<69x128xi32, #tpu.memory_space<hbm>>
      tpu.enqueue_dma source(%dma_start3A_29 : memref<69x128xi32, #tpu.memory_space<hbm>>) target(%arg8 : memref<69x128xi32, #tpu.memory_space<vmem>>) target_semaphore(%run_scoped3A : memref<!tpu.dma_semaphore, #tpu.memory_space<semaphore_mem>>)
      %dma_wait3A = arith.constant 0 : i32
      %dma_wait3A_30 = arith.constant 0 : i32
      %dma_wait3A_31 = tpu.memref_slice %arg4[%add3A, %dma_wait3A, %dma_wait3A_30] : memref<32x69x128xi32, #tpu.memory_space<hbm>> -> memref<1x69x128xi32, #tpu.memory_space<hbm>>
      %dma_wait3A_32 = tpu.memref_squeeze %dma_wait3A_31 : memref<1x69x128xi32, #tpu.memory_space<hbm>> -> memref<69x128xi32, #tpu.memory_space<hbm>>
      %dma_wait3A_33 = arith.constant 0 : i32
      %dma_wait3A_34 = arith.constant 0 : i32
      %dma_wait3A_35 = tpu.memref_slice %arg4[%add3A, %dma_wait3A_33, %dma_wait3A_34] : memref<32x69x128xi32, #tpu.memory_space<hbm>> -> memref<1x69x128xi32, #tpu.memory_space<hbm>>
      %dma_wait3A_36 = tpu.memref_squeeze %dma_wait3A_35 : memref<1x69x128xi32, #tpu.memory_space<hbm>> -> memref<69x128xi32, #tpu.memory_space<hbm>>
      tpu.wait_dma2 semaphore(%run_scoped3A : memref<!tpu.dma_semaphore, #tpu.memory_space<semaphore_mem>>) src(%dma_wait3A_36 : memref<69x128xi32, #tpu.memory_space<hbm>>) dst(%arg8 : memref<69x128xi32, #tpu.memory_space<vmem>>)
      tpu.yield
    }) : () -> ()
    %scan3A = arith.constant 0 : i32
    %scan3A_1 = arith.constant 0 : i32
    %scan3A_2 = arith.constant 128 : i32
    %scan3A_3 = arith.addi %scan3A_1, %scan3A_2 : i32
    %scan3A_4 = arith.constant 1 : i32
    scf.for %scan3A_23 = %scan3A_1 to %scan3A_3 step %scan3A_4  : i32 {
      %broadcast_in_dim3A = arith.constant 0.000000e+00 : f32
      %broadcast_in_dim3A_24 = vector.broadcast %broadcast_in_dim3A : f32 to vector<16xf32>
      %swap3A = arith.index_cast %scan3A_23 : i32 to index
      %swap3A_25 = arith.constant 0 : index
      %swap3A_26 = tpu.vector_load %arg15[%swap3A, %swap3A_25] {strides = array<i32>} : memref<128x16xf32, #tpu.memory_space<vmem>>, vector<1x16xf32>,
      %swap3A_27 = vector.shape_cast %swap3A_26 : vector<1x16xf32> to vector<16xf32>
      %swap3A_28 = vector.shape_cast %broadcast_in_dim3A_24 : vector<16xf32> to vector<1x16xf32>
      tpu.vector_store %arg15[%swap3A, %swap3A_25], %swap3A_28 {strides = array<i32>} : memref<128x16xf32, #tpu.memory_space<vmem>>, vector<1x16xf32>,
    }
    %scan3A_5 = arith.constant 128 : i32
    %scan3A_6 = arith.constant 0 : i32
    %scan3A_7 = arith.constant 0 : i32
    %scan3A_8 = arith.constant 46 : i32
    %scan3A_9 = arith.addi %scan3A_7, %scan3A_8 : i32
    %scan3A_10 = arith.constant 1 : i32
    scf.for %scan3A_23 = %scan3A_7 to %scan3A_9 step %scan3A_10  : i32 {
      %mul3A_24 = arith.constant 5888 : i32
      %mul3A_25 = arith.muli %arg1, %mul3A_24 : i32
      %mul3A_26 = arith.constant 128 : i32
      %mul3A_27 = arith.muli %scan3A_23, %mul3A_26 : i32
      %add3A_28 = arith.addi %mul3A_25, %mul3A_27 : i32
      "tpu.region"() ({
        %run_scoped3A = tpu.sem_alloc : memref<!tpu.dma_semaphore, #tpu.memory_space<semaphore_mem>>
        %dma_start3A = arith.constant 0 : i32
        %dma_start3A_29 = tpu.memref_slice %arg6[%add3A_28, %dma_start3A] : memref<94208x16xf32, #tpu.memory_space<vmem_shared>> -> memref<128x16xf32, #tpu.memory_space<vmem_shared>>
        %dma_start3A_30 = arith.constant 0 : i32
        %dma_start3A_31 = tpu.memref_slice %arg6[%add3A_28, %dma_start3A_30] : memref<94208x16xf32, #tpu.memory_space<vmem_shared>> -> memref<128x16xf32, #tpu.memory_space<vmem_shared>>
        tpu.enqueue_dma source(%arg15 : memref<128x16xf32, #tpu.memory_space<vmem>>) target(%dma_start3A_31 : memref<128x16xf32, #tpu.memory_space<vmem_shared>>) target_semaphore(%run_scoped3A : memref<!tpu.dma_semaphore, #tpu.memory_space<semaphore_mem>>)
        %dma_wait3A = arith.constant 0 : i32
        %dma_wait3A_32 = tpu.memref_slice %arg6[%add3A_28, %dma_wait3A] : memref<94208x16xf32, #tpu.memory_space<vmem_shared>> -> memref<128x16xf32, #tpu.memory_space<vmem_shared>>
        %dma_wait3A_33 = arith.constant 0 : i32
        %dma_wait3A_34 = tpu.memref_slice %arg6[%add3A_28, %dma_wait3A_33] : memref<94208x16xf32, #tpu.memory_space<vmem_shared>> -> memref<128x16xf32, #tpu.memory_space<vmem_shared>>
        tpu.wait_dma2 semaphore(%run_scoped3A : memref<!tpu.dma_semaphore, #tpu.memory_space<semaphore_mem>>) src(%arg15 : memref<128x16xf32, #tpu.memory_space<vmem>>) dst(%dma_wait3A_34 : memref<128x16xf32, #tpu.memory_space<vmem_shared>>)
        tpu.yield
      }) : () -> ()
    }
    %scan3A_11 = arith.constant 46 : i32
    %barrier3A = arith.constant 0 : index
    tpu.barrier barrier_id(%barrier3A)
    %scan3A_12 = arith.constant 0 : i32
    %scan3A_13 = arith.constant 0 : i32
    %scan3A_14 = arith.constant 23 : i32
    %scan3A_15 = arith.addi %scan3A_13, %scan3A_14 : i32
    %scan3A_16 = arith.constant 1 : i32
    scf.for %scan3A_23 = %scan3A_13 to %scan3A_15 step %scan3A_16  : i32 {
      %mul3A_24 = arith.constant 3 : i32
      %mul3A_25 = arith.muli %scan3A_23, %mul3A_24 : i32
      %add3A_26 = arith.constant 0 : i32
      %add3A_27 = arith.addi %mul3A_25, %add3A_26 : i32
      %dma_start3A = arith.constant 0 : i32
      %dma_start3A_28 = tpu.memref_slice %arg8[%add3A_27, %dma_start3A] : memref<69x128xi32, #tpu.memory_space<vmem>> -> memref<1x128xi32, #tpu.memory_space<vmem>>
      %dma_start3A_29 = tpu.memref_squeeze %dma_start3A_28 : memref<1x128xi32, #tpu.memory_space<vmem>> -> memref<128xi32, #tpu.memory_space<vmem>>
      %dma_start3A_30 = arith.constant 0 : i32
      %dma_start3A_31 = arith.constant 0 : i32
      %dma_start3A_32 = tpu.memref_slice %arg2[%dma_start3A_30, %dma_start3A_31] : memref<94208x16xf32, #tpu.memory_space<hbm>> -> memref<94208x16xf32, #tpu.memory_space<hbm>>
      tpu.enqueue_indirect_dma source(%dma_start3A_32 : memref<94208x16xf32, #tpu.memory_space<hbm>>) target(%arg9 : memref<128x16xf32, #tpu.memory_space<vmem>>) offsets(%dma_start3A_29 : memref<128xi32, #tpu.memory_space<vmem>>) semaphore(%arg16 : memref<!tpu.dma_semaphore, #tpu.memory_space<semaphore_mem>>)
      %dma_start3A_33 = arith.constant 0 : i32
      %dma_start3A_34 = tpu.memref_slice %arg7[%add3A_27, %dma_start3A_33] : memref<69x128xi32, #tpu.memory_space<vmem>> -> memref<1x128xi32, #tpu.memory_space<vmem>>
      %dma_start3A_35 = tpu.memref_squeeze %dma_start3A_34 : memref<1x128xi32, #tpu.memory_space<vmem>> -> memref<128xi32, #tpu.memory_space<vmem>>
      %dma_start3A_36 = arith.constant 0 : i32
      %dma_start3A_37 = arith.constant 0 : i32
      %dma_start3A_38 = tpu.memref_slice %arg2[%dma_start3A_36, %dma_start3A_37] : memref<94208x16xf32, #tpu.memory_space<hbm>> -> memref<94208x16xf32, #tpu.memory_space<hbm>>
      tpu.enqueue_indirect_dma source(%dma_start3A_38 : memref<94208x16xf32, #tpu.memory_space<hbm>>) target(%arg12 : memref<128x16xf32, #tpu.memory_space<vmem>>) offsets(%dma_start3A_35 : memref<128xi32, #tpu.memory_space<vmem>>) semaphore(%arg19 : memref<!tpu.dma_semaphore, #tpu.memory_space<semaphore_mem>>)
      %add3A_39 = arith.constant 1 : i32
      %add3A_40 = arith.addi %mul3A_25, %add3A_39 : i32
      %dma_start3A_41 = arith.constant 0 : i32
      %dma_start3A_42 = tpu.memref_slice %arg8[%add3A_40, %dma_start3A_41] : memref<69x128xi32, #tpu.memory_space<vmem>> -> memref<1x128xi32, #tpu.memory_space<vmem>>
      %dma_start3A_43 = tpu.memref_squeeze %dma_start3A_42 : memref<1x128xi32, #tpu.memory_space<vmem>> -> memref<128xi32, #tpu.memory_space<vmem>>
      %dma_start3A_44 = arith.constant 0 : i32
      %dma_start3A_45 = arith.constant 0 : i32
      %dma_start3A_46 = tpu.memref_slice %arg2[%dma_start3A_44, %dma_start3A_45] : memref<94208x16xf32, #tpu.memory_space<hbm>> -> memref<94208x16xf32, #tpu.memory_space<hbm>>
      tpu.enqueue_indirect_dma source(%dma_start3A_46 : memref<94208x16xf32, #tpu.memory_space<hbm>>) target(%arg10 : memref<128x16xf32, #tpu.memory_space<vmem>>) offsets(%dma_start3A_43 : memref<128xi32, #tpu.memory_space<vmem>>) semaphore(%arg17 : memref<!tpu.dma_semaphore, #tpu.memory_space<semaphore_mem>>)
      %dma_start3A_47 = arith.constant 0 : i32
      %dma_start3A_48 = tpu.memref_slice %arg7[%add3A_40, %dma_start3A_47] : memref<69x128xi32, #tpu.memory_space<vmem>> -> memref<1x128xi32, #tpu.memory_space<vmem>>
      %dma_start3A_49 = tpu.memref_squeeze %dma_start3A_48 : memref<1x128xi32, #tpu.memory_space<vmem>> -> memref<128xi32, #tpu.memory_space<vmem>>
      %dma_start3A_50 = arith.constant 0 : i32
      %dma_start3A_51 = arith.constant 0 : i32
      %dma_start3A_52 = tpu.memref_slice %arg2[%dma_start3A_50, %dma_start3A_51] : memref<94208x16xf32, #tpu.memory_space<hbm>> -> memref<94208x16xf32, #tpu.memory_space<hbm>>
      tpu.enqueue_indirect_dma source(%dma_start3A_52 : memref<94208x16xf32, #tpu.memory_space<hbm>>) target(%arg13 : memref<128x16xf32, #tpu.memory_space<vmem>>) offsets(%dma_start3A_49 : memref<128xi32, #tpu.memory_space<vmem>>) semaphore(%arg20 : memref<!tpu.dma_semaphore, #tpu.memory_space<semaphore_mem>>)
      %add3A_53 = arith.constant 2 : i32
      %add3A_54 = arith.addi %mul3A_25, %add3A_53 : i32
      %dma_start3A_55 = arith.constant 0 : i32
      %dma_start3A_56 = tpu.memref_slice %arg8[%add3A_54, %dma_start3A_55] : memref<69x128xi32, #tpu.memory_space<vmem>> -> memref<1x128xi32, #tpu.memory_space<vmem>>
      %dma_start3A_57 = tpu.memref_squeeze %dma_start3A_56 : memref<1x128xi32, #tpu.memory_space<vmem>> -> memref<128xi32, #tpu.memory_space<vmem>>
      %dma_start3A_58 = arith.constant 0 : i32
      %dma_start3A_59 = arith.constant 0 : i32
      %dma_start3A_60 = tpu.memref_slice %arg2[%dma_start3A_58, %dma_start3A_59] : memref<94208x16xf32, #tpu.memory_space<hbm>> -> memref<94208x16xf32, #tpu.memory_space<hbm>>
      tpu.enqueue_indirect_dma source(%dma_start3A_60 : memref<94208x16xf32, #tpu.memory_space<hbm>>) target(%arg11 : memref<128x16xf32, #tpu.memory_space<vmem>>) offsets(%dma_start3A_57 : memref<128xi32, #tpu.memory_space<vmem>>) semaphore(%arg18 : memref<!tpu.dma_semaphore, #tpu.memory_space<semaphore_mem>>)
      %dma_start3A_61 = arith.constant 0 : i32
      %dma_start3A_62 = tpu.memref_slice %arg7[%add3A_54, %dma_start3A_61] : memref<69x128xi32, #tpu.memory_space<vmem>> -> memref<1x128xi32, #tpu.memory_space<vmem>>
      %dma_start3A_63 = tpu.memref_squeeze %dma_start3A_62 : memref<1x128xi32, #tpu.memory_space<vmem>> -> memref<128xi32, #tpu.memory_space<vmem>>
      %dma_start3A_64 = arith.constant 0 : i32
      %dma_start3A_65 = arith.constant 0 : i32
      %dma_start3A_66 = tpu.memref_slice %arg2[%dma_start3A_64, %dma_start3A_65] : memref<94208x16xf32, #tpu.memory_space<hbm>> -> memref<94208x16xf32, #tpu.memory_space<hbm>>
      tpu.enqueue_indirect_dma source(%dma_start3A_66 : memref<94208x16xf32, #tpu.memory_space<hbm>>) target(%arg14 : memref<128x16xf32, #tpu.memory_space<vmem>>) offsets(%dma_start3A_63 : memref<128xi32, #tpu.memory_space<vmem>>) semaphore(%arg21 : memref<!tpu.dma_semaphore, #tpu.memory_space<semaphore_mem>>)
      %add3A_67 = arith.constant 0 : i32
      %add3A_68 = arith.addi %mul3A_25, %add3A_67 : i32
      %dma_wait3A = arith.constant 0 : i32
      %dma_wait3A_69 = tpu.memref_slice %arg8[%add3A_27, %dma_wait3A] : memref<69x128xi32, #tpu.memory_space<vmem>> -> memref<1x128xi32, #tpu.memory_space<vmem>>
      %dma_wait3A_70 = tpu.memref_squeeze %dma_wait3A_69 : memref<1x128xi32, #tpu.memory_space<vmem>> -> memref<128xi32, #tpu.memory_space<vmem>>
      %dma_wait3A_71 = arith.constant 0 : i32
      %dma_wait3A_72 = arith.constant 0 : i32
      %dma_wait3A_73 = tpu.memref_slice %arg2[%dma_wait3A_71, %dma_wait3A_72] : memref<94208x16xf32, #tpu.memory_space<hbm>> -> memref<94208x16xf32, #tpu.memory_space<hbm>>
      tpu.wait_indirect_dma semaphore(%arg16 : memref<!tpu.dma_semaphore, #tpu.memory_space<semaphore_mem>>) src(%dma_wait3A_73 : memref<94208x16xf32, #tpu.memory_space<hbm>>) dst(%arg9 : memref<128x16xf32, #tpu.memory_space<vmem>>)
      "tpu.region"() ({
        %run_scoped3A = tpu.sem_alloc : memref<!tpu.dma_semaphore, #tpu.memory_space<semaphore_mem>>
        %dma_start3A_108 = arith.constant 0 : i32
        %dma_start3A_109 = tpu.memref_slice %arg7[%add3A_68, %dma_start3A_108] : memref<69x128xi32, #tpu.memory_space<vmem>> -> memref<1x128xi32, #tpu.memory_space<vmem>>
        %dma_start3A_110 = tpu.memref_squeeze %dma_start3A_109 : memref<1x128xi32, #tpu.memory_space<vmem>> -> memref<128xi32, #tpu.memory_space<vmem>>
        %dma_start3A_111 = arith.constant 0 : i32
        %dma_start3A_112 = arith.constant 0 : i32
        %dma_start3A_113 = tpu.memref_slice %arg6[%dma_start3A_111, %dma_start3A_112] : memref<94208x16xf32, #tpu.memory_space<vmem_shared>> -> memref<94208x16xf32, #tpu.memory_space<vmem_shared>>
        tpu.enqueue_indirect_dma source(%arg9 : memref<128x16xf32, #tpu.memory_space<vmem>>) target(%dma_start3A_113 : memref<94208x16xf32, #tpu.memory_space<vmem_shared>>) offsets(%dma_start3A_110 : memref<128xi32, #tpu.memory_space<vmem>>) semaphore(%run_scoped3A : memref<!tpu.dma_semaphore, #tpu.memory_space<semaphore_mem>>) {add = true}
        %dma_wait3A_114 = arith.constant 0 : i32
        %dma_wait3A_115 = tpu.memref_slice %arg7[%add3A_68, %dma_wait3A_114] : memref<69x128xi32, #tpu.memory_space<vmem>> -> memref<1x128xi32, #tpu.memory_space<vmem>>
        %dma_wait3A_116 = tpu.memref_squeeze %dma_wait3A_115 : memref<1x128xi32, #tpu.memory_space<vmem>> -> memref<128xi32, #tpu.memory_space<vmem>>
        %dma_wait3A_117 = arith.constant 0 : i32
        %dma_wait3A_118 = arith.constant 0 : i32
        %dma_wait3A_119 = tpu.memref_slice %arg6[%dma_wait3A_117, %dma_wait3A_118] : memref<94208x16xf32, #tpu.memory_space<vmem_shared>> -> memref<94208x16xf32, #tpu.memory_space<vmem_shared>>
        tpu.wait_indirect_dma semaphore(%run_scoped3A : memref<!tpu.dma_semaphore, #tpu.memory_space<semaphore_mem>>) src(%arg9 : memref<128x16xf32, #tpu.memory_space<vmem>>) dst(%dma_wait3A_119 : memref<94208x16xf32, #tpu.memory_space<vmem_shared>>)
        tpu.yield
      }) : () -> ()
      %dma_wait3A_74 = arith.constant 0 : i32
      %dma_wait3A_75 = tpu.memref_slice %arg7[%add3A_27, %dma_wait3A_74] : memref<69x128xi32, #tpu.memory_space<vmem>> -> memref<1x128xi32, #tpu.memory_space<vmem>>
      %dma_wait3A_76 = tpu.memref_squeeze %dma_wait3A_75 : memref<1x128xi32, #tpu.memory_space<vmem>> -> memref<128xi32, #tpu.memory_space<vmem>>
      %dma_wait3A_77 = arith.constant 0 : i32
      %dma_wait3A_78 = arith.constant 0 : i32
      %dma_wait3A_79 = tpu.memref_slice %arg2[%dma_wait3A_77, %dma_wait3A_78] : memref<94208x16xf32, #tpu.memory_space<hbm>> -> memref<94208x16xf32, #tpu.memory_space<hbm>>
      tpu.wait_indirect_dma semaphore(%arg19 : memref<!tpu.dma_semaphore, #tpu.memory_space<semaphore_mem>>) src(%dma_wait3A_79 : memref<94208x16xf32, #tpu.memory_space<hbm>>) dst(%arg12 : memref<128x16xf32, #tpu.memory_space<vmem>>)
      "tpu.region"() ({
        %run_scoped3A = tpu.sem_alloc : memref<!tpu.dma_semaphore, #tpu.memory_space<semaphore_mem>>
        %dma_start3A_108 = arith.constant 0 : i32
        %dma_start3A_109 = tpu.memref_slice %arg8[%add3A_68, %dma_start3A_108] : memref<69x128xi32, #tpu.memory_space<vmem>> -> memref<1x128xi32, #tpu.memory_space<vmem>>
        %dma_start3A_110 = tpu.memref_squeeze %dma_start3A_109 : memref<1x128xi32, #tpu.memory_space<vmem>> -> memref<128xi32, #tpu.memory_space<vmem>>
        %dma_start3A_111 = arith.constant 0 : i32
        %dma_start3A_112 = arith.constant 0 : i32
        %dma_start3A_113 = tpu.memref_slice %arg6[%dma_start3A_111, %dma_start3A_112] : memref<94208x16xf32, #tpu.memory_space<vmem_shared>> -> memref<94208x16xf32, #tpu.memory_space<vmem_shared>>
        tpu.enqueue_indirect_dma source(%arg12 : memref<128x16xf32, #tpu.memory_space<vmem>>) target(%dma_start3A_113 : memref<94208x16xf32, #tpu.memory_space<vmem_shared>>) offsets(%dma_start3A_110 : memref<128xi32, #tpu.memory_space<vmem>>) semaphore(%run_scoped3A : memref<!tpu.dma_semaphore, #tpu.memory_space<semaphore_mem>>) {add = true}
        %dma_wait3A_114 = arith.constant 0 : i32
        %dma_wait3A_115 = tpu.memref_slice %arg8[%add3A_68, %dma_wait3A_114] : memref<69x128xi32, #tpu.memory_space<vmem>> -> memref<1x128xi32, #tpu.memory_space<vmem>>
        %dma_wait3A_116 = tpu.memref_squeeze %dma_wait3A_115 : memref<1x128xi32, #tpu.memory_space<vmem>> -> memref<128xi32, #tpu.memory_space<vmem>>
        %dma_wait3A_117 = arith.constant 0 : i32
        %dma_wait3A_118 = arith.constant 0 : i32
        %dma_wait3A_119 = tpu.memref_slice %arg6[%dma_wait3A_117, %dma_wait3A_118] : memref<94208x16xf32, #tpu.memory_space<vmem_shared>> -> memref<94208x16xf32, #tpu.memory_space<vmem_shared>>
        tpu.wait_indirect_dma semaphore(%run_scoped3A : memref<!tpu.dma_semaphore, #tpu.memory_space<semaphore_mem>>) src(%arg12 : memref<128x16xf32, #tpu.memory_space<vmem>>) dst(%dma_wait3A_119 : memref<94208x16xf32, #tpu.memory_space<vmem_shared>>)
        tpu.yield
      }) : () -> ()
      %add3A_80 = arith.constant 1 : i32
      %add3A_81 = arith.addi %mul3A_25, %add3A_80 : i32
      %dma_wait3A_82 = arith.constant 0 : i32
      %dma_wait3A_83 = tpu.memref_slice %arg8[%add3A_40, %dma_wait3A_82] : memref<69x128xi32, #tpu.memory_space<vmem>> -> memref<1x128xi32, #tpu.memory_space<vmem>>
      %dma_wait3A_84 = tpu.memref_squeeze %dma_wait3A_83 : memref<1x128xi32, #tpu.memory_space<vmem>> -> memref<128xi32, #tpu.memory_space<vmem>>
      %dma_wait3A_85 = arith.constant 0 : i32
      %dma_wait3A_86 = arith.constant 0 : i32
      %dma_wait3A_87 = tpu.memref_slice %arg2[%dma_wait3A_85, %dma_wait3A_86] : memref<94208x16xf32, #tpu.memory_space<hbm>> -> memref<94208x16xf32, #tpu.memory_space<hbm>>
      tpu.wait_indirect_dma semaphore(%arg17 : memref<!tpu.dma_semaphore, #tpu.memory_space<semaphore_mem>>) src(%dma_wait3A_87 : memref<94208x16xf32, #tpu.memory_space<hbm>>) dst(%arg10 : memref<128x16xf32, #tpu.memory_space<vmem>>)
      "tpu.region"() ({
        %run_scoped3A = tpu.sem_alloc : memref<!tpu.dma_semaphore, #tpu.memory_space<semaphore_mem>>
        %dma_start3A_108 = arith.constant 0 : i32
        %dma_start3A_109 = tpu.memref_slice %arg7[%add3A_81, %dma_start3A_108] : memref<69x128xi32, #tpu.memory_space<vmem>> -> memref<1x128xi32, #tpu.memory_space<vmem>>
        %dma_start3A_110 = tpu.memref_squeeze %dma_start3A_109 : memref<1x128xi32, #tpu.memory_space<vmem>> -> memref<128xi32, #tpu.memory_space<vmem>>
        %dma_start3A_111 = arith.constant 0 : i32
        %dma_start3A_112 = arith.constant 0 : i32
        %dma_start3A_113 = tpu.memref_slice %arg6[%dma_start3A_111, %dma_start3A_112] : memref<94208x16xf32, #tpu.memory_space<vmem_shared>> -> memref<94208x16xf32, #tpu.memory_space<vmem_shared>>
        tpu.enqueue_indirect_dma source(%arg10 : memref<128x16xf32, #tpu.memory_space<vmem>>) target(%dma_start3A_113 : memref<94208x16xf32, #tpu.memory_space<vmem_shared>>) offsets(%dma_start3A_110 : memref<128xi32, #tpu.memory_space<vmem>>) semaphore(%run_scoped3A : memref<!tpu.dma_semaphore, #tpu.memory_space<semaphore_mem>>) {add = true}
        %dma_wait3A_114 = arith.constant 0 : i32
        %dma_wait3A_115 = tpu.memref_slice %arg7[%add3A_81, %dma_wait3A_114] : memref<69x128xi32, #tpu.memory_space<vmem>> -> memref<1x128xi32, #tpu.memory_space<vmem>>
        %dma_wait3A_116 = tpu.memref_squeeze %dma_wait3A_115 : memref<1x128xi32, #tpu.memory_space<vmem>> -> memref<128xi32, #tpu.memory_space<vmem>>
        %dma_wait3A_117 = arith.constant 0 : i32
        %dma_wait3A_118 = arith.constant 0 : i32
        %dma_wait3A_119 = tpu.memref_slice %arg6[%dma_wait3A_117, %dma_wait3A_118] : memref<94208x16xf32, #tpu.memory_space<vmem_shared>> -> memref<94208x16xf32, #tpu.memory_space<vmem_shared>>
        tpu.wait_indirect_dma semaphore(%run_scoped3A : memref<!tpu.dma_semaphore, #tpu.memory_space<semaphore_mem>>) src(%arg10 : memref<128x16xf32, #tpu.memory_space<vmem>>) dst(%dma_wait3A_119 : memref<94208x16xf32, #tpu.memory_space<vmem_shared>>)
        tpu.yield
      }) : () -> ()
      %dma_wait3A_88 = arith.constant 0 : i32
      %dma_wait3A_89 = tpu.memref_slice %arg7[%add3A_40, %dma_wait3A_88] : memref<69x128xi32, #tpu.memory_space<vmem>> -> memref<1x128xi32, #tpu.memory_space<vmem>>
      %dma_wait3A_90 = tpu.memref_squeeze %dma_wait3A_89 : memref<1x128xi32, #tpu.memory_space<vmem>> -> memref<128xi32, #tpu.memory_space<vmem>>
      %dma_wait3A_91 = arith.constant 0 : i32
      %dma_wait3A_92 = arith.constant 0 : i32
      %dma_wait3A_93 = tpu.memref_slice %arg2[%dma_wait3A_91, %dma_wait3A_92] : memref<94208x16xf32, #tpu.memory_space<hbm>> -> memref<94208x16xf32, #tpu.memory_space<hbm>>
      tpu.wait_indirect_dma semaphore(%arg20 : memref<!tpu.dma_semaphore, #tpu.memory_space<semaphore_mem>>) src(%dma_wait3A_93 : memref<94208x16xf32, #tpu.memory_space<hbm>>) dst(%arg13 : memref<128x16xf32, #tpu.memory_space<vmem>>)
      "tpu.region"() ({
        %run_scoped3A = tpu.sem_alloc : memref<!tpu.dma_semaphore, #tpu.memory_space<semaphore_mem>>
        %dma_start3A_108 = arith.constant 0 : i32
        %dma_start3A_109 = tpu.memref_slice %arg8[%add3A_81, %dma_start3A_108] : memref<69x128xi32, #tpu.memory_space<vmem>> -> memref<1x128xi32, #tpu.memory_space<vmem>>
        %dma_start3A_110 = tpu.memref_squeeze %dma_start3A_109 : memref<1x128xi32, #tpu.memory_space<vmem>> -> memref<128xi32, #tpu.memory_space<vmem>>
        %dma_start3A_111 = arith.constant 0 : i32
        %dma_start3A_112 = arith.constant 0 : i32
        %dma_start3A_113 = tpu.memref_slice %arg6[%dma_start3A_111, %dma_start3A_112] : memref<94208x16xf32, #tpu.memory_space<vmem_shared>> -> memref<94208x16xf32, #tpu.memory_space<vmem_shared>>
        tpu.enqueue_indirect_dma source(%arg13 : memref<128x16xf32, #tpu.memory_space<vmem>>) target(%dma_start3A_113 : memref<94208x16xf32, #tpu.memory_space<vmem_shared>>) offsets(%dma_start3A_110 : memref<128xi32, #tpu.memory_space<vmem>>) semaphore(%run_scoped3A : memref<!tpu.dma_semaphore, #tpu.memory_space<semaphore_mem>>) {add = true}
        %dma_wait3A_114 = arith.constant 0 : i32
        %dma_wait3A_115 = tpu.memref_slice %arg8[%add3A_81, %dma_wait3A_114] : memref<69x128xi32, #tpu.memory_space<vmem>> -> memref<1x128xi32, #tpu.memory_space<vmem>>
        %dma_wait3A_116 = tpu.memref_squeeze %dma_wait3A_115 : memref<1x128xi32, #tpu.memory_space<vmem>> -> memref<128xi32, #tpu.memory_space<vmem>>
        %dma_wait3A_117 = arith.constant 0 : i32
        %dma_wait3A_118 = arith.constant 0 : i32
        %dma_wait3A_119 = tpu.memref_slice %arg6[%dma_wait3A_117, %dma_wait3A_118] : memref<94208x16xf32, #tpu.memory_space<vmem_shared>> -> memref<94208x16xf32, #tpu.memory_space<vmem_shared>>
        tpu.wait_indirect_dma semaphore(%run_scoped3A : memref<!tpu.dma_semaphore, #tpu.memory_space<semaphore_mem>>) src(%arg13 : memref<128x16xf32, #tpu.memory_space<vmem>>) dst(%dma_wait3A_119 : memref<94208x16xf32, #tpu.memory_space<vmem_shared>>)
        tpu.yield
      }) : () -> ()
      %add3A_94 = arith.constant 2 : i32
      %add3A_95 = arith.addi %mul3A_25, %add3A_94 : i32
      %dma_wait3A_96 = arith.constant 0 : i32
      %dma_wait3A_97 = tpu.memref_slice %arg8[%add3A_54, %dma_wait3A_96] : memref<69x128xi32, #tpu.memory_space<vmem>> -> memref<1x128xi32, #tpu.memory_space<vmem>>
      %dma_wait3A_98 = tpu.memref_squeeze %dma_wait3A_97 : memref<1x128xi32, #tpu.memory_space<vmem>> -> memref<128xi32, #tpu.memory_space<vmem>>
      %dma_wait3A_99 = arith.constant 0 : i32
      %dma_wait3A_100 = arith.constant 0 : i32
      %dma_wait3A_101 = tpu.memref_slice %arg2[%dma_wait3A_99, %dma_wait3A_100] : memref<94208x16xf32, #tpu.memory_space<hbm>> -> memref<94208x16xf32, #tpu.memory_space<hbm>>
      tpu.wait_indirect_dma semaphore(%arg18 : memref<!tpu.dma_semaphore, #tpu.memory_space<semaphore_mem>>) src(%dma_wait3A_101 : memref<94208x16xf32, #tpu.memory_space<hbm>>) dst(%arg11 : memref<128x16xf32, #tpu.memory_space<vmem>>)
      "tpu.region"() ({
        %run_scoped3A = tpu.sem_alloc : memref<!tpu.dma_semaphore, #tpu.memory_space<semaphore_mem>>
        %dma_start3A_108 = arith.constant 0 : i32
        %dma_start3A_109 = tpu.memref_slice %arg7[%add3A_95, %dma_start3A_108] : memref<69x128xi32, #tpu.memory_space<vmem>> -> memref<1x128xi32, #tpu.memory_space<vmem>>
        %dma_start3A_110 = tpu.memref_squeeze %dma_start3A_109 : memref<1x128xi32, #tpu.memory_space<vmem>> -> memref<128xi32, #tpu.memory_space<vmem>>
        %dma_start3A_111 = arith.constant 0 : i32
        %dma_start3A_112 = arith.constant 0 : i32
        %dma_start3A_113 = tpu.memref_slice %arg6[%dma_start3A_111, %dma_start3A_112] : memref<94208x16xf32, #tpu.memory_space<vmem_shared>> -> memref<94208x16xf32, #tpu.memory_space<vmem_shared>>
        tpu.enqueue_indirect_dma source(%arg11 : memref<128x16xf32, #tpu.memory_space<vmem>>) target(%dma_start3A_113 : memref<94208x16xf32, #tpu.memory_space<vmem_shared>>) offsets(%dma_start3A_110 : memref<128xi32, #tpu.memory_space<vmem>>) semaphore(%run_scoped3A : memref<!tpu.dma_semaphore, #tpu.memory_space<semaphore_mem>>) {add = true}
        %dma_wait3A_114 = arith.constant 0 : i32
        %dma_wait3A_115 = tpu.memref_slice %arg7[%add3A_95, %dma_wait3A_114] : memref<69x128xi32, #tpu.memory_space<vmem>> -> memref<1x128xi32, #tpu.memory_space<vmem>>
        %dma_wait3A_116 = tpu.memref_squeeze %dma_wait3A_115 : memref<1x128xi32, #tpu.memory_space<vmem>> -> memref<128xi32, #tpu.memory_space<vmem>>
        %dma_wait3A_117 = arith.constant 0 : i32
        %dma_wait3A_118 = arith.constant 0 : i32
        %dma_wait3A_119 = tpu.memref_slice %arg6[%dma_wait3A_117, %dma_wait3A_118] : memref<94208x16xf32, #tpu.memory_space<vmem_shared>> -> memref<94208x16xf32, #tpu.memory_space<vmem_shared>>
        tpu.wait_indirect_dma semaphore(%run_scoped3A : memref<!tpu.dma_semaphore, #tpu.memory_space<semaphore_mem>>) src(%arg11 : memref<128x16xf32, #tpu.memory_space<vmem>>) dst(%dma_wait3A_119 : memref<94208x16xf32, #tpu.memory_space<vmem_shared>>)
        tpu.yield
      }) : () -> ()
      %dma_wait3A_102 = arith.constant 0 : i32
      %dma_wait3A_103 = tpu.memref_slice %arg7[%add3A_54, %dma_wait3A_102] : memref<69x128xi32, #tpu.memory_space<vmem>> -> memref<1x128xi32, #tpu.memory_space<vmem>>
      %dma_wait3A_104 = tpu.memref_squeeze %dma_wait3A_103 : memref<1x128xi32, #tpu.memory_space<vmem>> -> memref<128xi32, #tpu.memory_space<vmem>>
      %dma_wait3A_105 = arith.constant 0 : i32
      %dma_wait3A_106 = arith.constant 0 : i32
      %dma_wait3A_107 = tpu.memref_slice %arg2[%dma_wait3A_105, %dma_wait3A_106] : memref<94208x16xf32, #tpu.memory_space<hbm>> -> memref<94208x16xf32, #tpu.memory_space<hbm>>
      tpu.wait_indirect_dma semaphore(%arg21 : memref<!tpu.dma_semaphore, #tpu.memory_space<semaphore_mem>>) src(%dma_wait3A_107 : memref<94208x16xf32, #tpu.memory_space<hbm>>) dst(%arg14 : memref<128x16xf32, #tpu.memory_space<vmem>>)
      "tpu.region"() ({
        %run_scoped3A = tpu.sem_alloc : memref<!tpu.dma_semaphore, #tpu.memory_space<semaphore_mem>>
        %dma_start3A_108 = arith.constant 0 : i32
        %dma_start3A_109 = tpu.memref_slice %arg8[%add3A_95, %dma_start3A_108] : memref<69x128xi32, #tpu.memory_space<vmem>> -> memref<1x128xi32, #tpu.memory_space<vmem>>
        %dma_start3A_110 = tpu.memref_squeeze %dma_start3A_109 : memref<1x128xi32, #tpu.memory_space<vmem>> -> memref<128xi32, #tpu.memory_space<vmem>>
        %dma_start3A_111 = arith.constant 0 : i32
        %dma_start3A_112 = arith.constant 0 : i32
        %dma_start3A_113 = tpu.memref_slice %arg6[%dma_start3A_111, %dma_start3A_112] : memref<94208x16xf32, #tpu.memory_space<vmem_shared>> -> memref<94208x16xf32, #tpu.memory_space<vmem_shared>>
        tpu.enqueue_indirect_dma source(%arg14 : memref<128x16xf32, #tpu.memory_space<vmem>>) target(%dma_start3A_113 : memref<94208x16xf32, #tpu.memory_space<vmem_shared>>) offsets(%dma_start3A_110 : memref<128xi32, #tpu.memory_space<vmem>>) semaphore(%run_scoped3A : memref<!tpu.dma_semaphore, #tpu.memory_space<semaphore_mem>>) {add = true}
        %dma_wait3A_114 = arith.constant 0 : i32
        %dma_wait3A_115 = tpu.memref_slice %arg8[%add3A_95, %dma_wait3A_114] : memref<69x128xi32, #tpu.memory_space<vmem>> -> memref<1x128xi32, #tpu.memory_space<vmem>>
        %dma_wait3A_116 = tpu.memref_squeeze %dma_wait3A_115 : memref<1x128xi32, #tpu.memory_space<vmem>> -> memref<128xi32, #tpu.memory_space<vmem>>
        %dma_wait3A_117 = arith.constant 0 : i32
        %dma_wait3A_118 = arith.constant 0 : i32
        %dma_wait3A_119 = tpu.memref_slice %arg6[%dma_wait3A_117, %dma_wait3A_118] : memref<94208x16xf32, #tpu.memory_space<vmem_shared>> -> memref<94208x16xf32, #tpu.memory_space<vmem_shared>>
        tpu.wait_indirect_dma semaphore(%run_scoped3A : memref<!tpu.dma_semaphore, #tpu.memory_space<semaphore_mem>>) src(%arg14 : memref<128x16xf32, #tpu.memory_space<vmem>>) dst(%dma_wait3A_119 : memref<94208x16xf32, #tpu.memory_space<vmem_shared>>)
        tpu.yield
      }) : () -> ()
    }
    %scan3A_17 = arith.constant 23 : i32
    %barrier3A_18 = arith.constant 0 : index
    tpu.barrier barrier_id(%barrier3A_18)
    %mul3A_19 = arith.constant 5888 : i32
    %mul3A_20 = arith.muli %arg1, %mul3A_19 : i32
    %mul3A_21 = arith.constant 5888 : i32
    %mul3A_22 = arith.muli %arg1, %mul3A_21 : i32
    "tpu.region"() ({
      %run_scoped3A = tpu.sem_alloc : memref<!tpu.dma_semaphore, #tpu.memory_space<semaphore_mem>>
      %dma_start3A = arith.constant 0 : i32
      %dma_start3A_23 = tpu.memref_slice %arg5[%arg0, %mul3A_22, %dma_start3A] : memref<2x94208x16xf32, #tpu.memory_space<hbm>> -> memref<1x5888x16xf32, #tpu.memory_space<hbm>>
      %dma_start3A_24 = tpu.memref_squeeze %dma_start3A_23 : memref<1x5888x16xf32, #tpu.memory_space<hbm>> -> memref<5888x16xf32, #tpu.memory_space<hbm>>
      %dma_start3A_25 = arith.constant 0 : i32
      %dma_start3A_26 = tpu.memref_slice %arg6[%mul3A_20, %dma_start3A_25] : memref<94208x16xf32, #tpu.memory_space<vmem_shared>> -> memref<5888x16xf32, #tpu.memory_space<vmem_shared>>
      tpu.enqueue_dma source(%dma_start3A_26 : memref<5888x16xf32, #tpu.memory_space<vmem_shared>>) target(%dma_start3A_24 : memref<5888x16xf32, #tpu.memory_space<hbm>>) target_semaphore(%run_scoped3A : memref<!tpu.dma_semaphore, #tpu.memory_space<semaphore_mem>>)
      %dma_wait3A = arith.constant 0 : i32
      %dma_wait3A_27 = tpu.memref_slice %arg5[%arg0, %mul3A_22, %dma_wait3A] : memref<2x94208x16xf32, #tpu.memory_space<hbm>> -> memref<1x5888x16xf32, #tpu.memory_space<hbm>>
      %dma_wait3A_28 = tpu.memref_squeeze %dma_wait3A_27 : memref<1x5888x16xf32, #tpu.memory_space<hbm>> -> memref<5888x16xf32, #tpu.memory_space<hbm>>
      %dma_wait3A_29 = arith.constant 0 : i32
      %dma_wait3A_30 = tpu.memref_slice %arg6[%mul3A_20, %dma_wait3A_29] : memref<94208x16xf32, #tpu.memory_space<vmem_shared>> -> memref<5888x16xf32, #tpu.memory_space<vmem_shared>>
      tpu.wait_dma2 semaphore(%run_scoped3A : memref<!tpu.dma_semaphore, #tpu.memory_space<semaphore_mem>>) src(%dma_wait3A_30 : memref<5888x16xf32, #tpu.memory_space<vmem_shared>>) dst(%dma_wait3A_28 : memref<5888x16xf32, #tpu.memory_space<hbm>>)
      tpu.yield
    }) : () -> ()
    return
  }
}

#map = affine_map<(d0, d1) -> (0, 0)>
#map1 = affine_map<(d0, d1) -> (0, 0, 0)>
module attributes {stable_mosaic.version = 14 : i64} {
  func.func @spmv(%arg0: i32, %arg1: i32, %arg2: memref<94208x16xf32, #tpu.memory_space<hbm>>, %arg3: memref<32x69x128xi32, #tpu.memory_space<hbm>>, %arg4: memref<32x69x128xi32, #tpu.memory_space<hbm>>, %arg5: memref<2x94208x16xf32, #tpu.memory_space<hbm>>, %arg6: memref<94208x16xf32, #tpu.memory_space<vmem_shared>>, %arg7: memref<69x128xi32, #tpu.memory_space<vmem>>, %arg8: memref<69x128xi32, #tpu.memory_space<vmem>>, %arg9: memref<128x16xf32, #tpu.memory_space<vmem>>, %arg10: memref<128x16xf32, #tpu.memory_space<vmem>>, %arg11: memref<128x16xf32, #tpu.memory_space<vmem>>, %arg12: memref<128x16xf32, #tpu.memory_space<vmem>>, %arg13: memref<128x16xf32, #tpu.memory_space<vmem>>, %arg14: memref<128x16xf32, #tpu.memory_space<vmem>>, %arg15: memref<128x16xf32, #tpu.memory_space<vmem>>, %arg16: memref<!tpu.dma_semaphore, #tpu.memory_space<semaphore_mem>>, %arg17: memref<!tpu.dma_semaphore, #tpu.memory_space<semaphore_mem>>, %arg18: memref<!tpu.dma_semaphore, #tpu.memory_space<semaphore_mem>>, %arg19: memref<!tpu.dma_semaphore, #tpu.memory_space<semaphore_mem>>, %arg20: memref<!tpu.dma_semaphore, #tpu.memory_space<semaphore_mem>>, %arg21: memref<!tpu.dma_semaphore, #tpu.memory_space<semaphore_mem>>) attributes {dimension_semantics = [#tpu.dimension_semantics<core_parallel>, #tpu.dimension_semantics<subcore_parallel>], iteration_bounds = array<i64: 2, 16>, scalar_prefetch = 0 : i64, scratch_operands = 16 : i64, tpu.core_type = #tpu.core_type<sc_vector_subcore>, window_params = [{transform_indices = #map}, {transform_indices = #map1}, {transform_indices = #map1}, {transform_indices = #map1}]} {
    %mul3A = arith.constant 2 : i32
    %mul3A_0 = arith.muli %arg1, %mul3A : i32
    %add3A = arith.addi %mul3A_0, %arg0 : i32
    "tpu.region"() ({
      %run_scoped3A = tpu.sem_alloc : memref<!tpu.dma_semaphore, #tpu.memory_space<semaphore_mem>>
      %dma_start3A = arith.constant 0 : i32
      %dma_start3A_23 = arith.constant 0 : i32
      %dma_start3A_24 = tpu.memref_slice %arg3[%add3A, %dma_start3A, %dma_start3A_23] : memref<32x69x128xi32, #tpu.memory_space<hbm>> -> memref<1x69x128xi32, #tpu.memory_space<hbm>>
      %dma_start3A_25 = tpu.memref_squeeze %dma_start3A_24 : memref<1x69x128xi32, #tpu.memory_space<hbm>> -> memref<69x128xi32, #tpu.memory_space<hbm>>
      %dma_start3A_26 = arith.constant 0 : i32
      %dma_start3A_27 = arith.constant 0 : i32
      %dma_start3A_28 = tpu.memref_slice %arg3[%add3A, %dma_start3A_26, %dma_start3A_27] : memref<32x69x128xi32, #tpu.memory_space<hbm>> -> memref<1x69x128xi32, #tpu.memory_space<hbm>>
      %dma_start3A_29 = tpu.memref_squeeze %dma_start3A_28 : memref<1x69x128xi32, #tpu.memory_space<hbm>> -> memref<69x128xi32, #tpu.memory_space<hbm>>
      tpu.enqueue_dma source(%dma_start3A_29 : memref<69x128xi32, #tpu.memory_space<hbm>>) target(%arg7 : memref<69x128xi32, #tpu.memory_space<vmem>>) target_semaphore(%run_scoped3A : memref<!tpu.dma_semaphore, #tpu.memory_space<semaphore_mem>>)
      %dma_wait3A = arith.constant 0 : i32
      %dma_wait3A_30 = arith.constant 0 : i32
      %dma_wait3A_31 = tpu.memref_slice %arg3[%add3A, %dma_wait3A, %dma_wait3A_30] : memref<32x69x128xi32, #tpu.memory_space<hbm>> -> memref<1x69x128xi32, #tpu.memory_space<hbm>>
      %dma_wait3A_32 = tpu.memref_squeeze %dma_wait3A_31 : memref<1x69x128xi32, #tpu.memory_space<hbm>> -> memref<69x128xi32, #tpu.memory_space<hbm>>
      %dma_wait3A_33 = arith.constant 0 : i32
      %dma_wait3A_34 = arith.constant 0 : i32
      %dma_wait3A_35 = tpu.memref_slice %arg3[%add3A, %dma_wait3A_33, %dma_wait3A_34] : memref<32x69x128xi32, #tpu.memory_space<hbm>> -> memref<1x69x128xi32, #tpu.memory_space<hbm>>
      %dma_wait3A_36 = tpu.memref_squeeze %dma_wait3A_35 : memref<1x69x128xi32, #tpu.memory_space<hbm>> -> memref<69x128xi32, #tpu.memory_space<hbm>>
      tpu.wait_dma2 semaphore(%run_scoped3A : memref<!tpu.dma_semaphore, #tpu.memory_space<semaphore_mem>>) src(%dma_wait3A_36 : memref<69x128xi32, #tpu.memory_space<hbm>>) dst(%arg7 : memref<69x128xi32, #tpu.memory_space<vmem>>)
      tpu.yield
    }) : () -> ()
    "tpu.region"() ({
      %run_scoped3A = tpu.sem_alloc : memref<!tpu.dma_semaphore, #tpu.memory_space<semaphore_mem>>
      %dma_start3A = arith.constant 0 : i32
      %dma_start3A_23 = arith.constant 0 : i32
      %dma_start3A_24 = tpu.memref_slice %arg4[%add3A, %dma_start3A, %dma_start3A_23] : memref<32x69x128xi32, #tpu.memory_space<hbm>> -> memref<1x69x128xi32, #tpu.memory_space<hbm>>
      %dma_start3A_25 = tpu.memref_squeeze %dma_start3A_24 : memref<1x69x128xi32, #tpu.memory_space<hbm>> -> memref<69x128xi32, #tpu.memory_space<hbm>>
      %dma_start3A_26 = arith.constant 0 : i32
      %dma_start3A_27 = arith.constant 0 : i32
      %dma_start3A_28 = tpu.memref_slice %arg4[%add3A, %dma_start3A_26, %dma_start3A_27] : memref<32x69x128xi32, #tpu.memory_space<hbm>> -> memref<1x69x128xi32, #tpu.memory_space<hbm>>
      %dma_start3A_29 = tpu.memref_squeeze %dma_start3A_28 : memref<1x69x128xi32, #tpu.memory_space<hbm>> -> memref<69x128xi32, #tpu.memory_space<hbm>>
      tpu.enqueue_dma source(%dma_start3A_29 : memref<69x128xi32, #tpu.memory_space<hbm>>) target(%arg8 : memref<69x128xi32, #tpu.memory_space<vmem>>) target_semaphore(%run_scoped3A : memref<!tpu.dma_semaphore, #tpu.memory_space<semaphore_mem>>)
      %dma_wait3A = arith.constant 0 : i32
      %dma_wait3A_30 = arith.constant 0 : i32
      %dma_wait3A_31 = tpu.memref_slice %arg4[%add3A, %dma_wait3A, %dma_wait3A_30] : memref<32x69x128xi32, #tpu.memory_space<hbm>> -> memref<1x69x128xi32, #tpu.memory_space<hbm>>
      %dma_wait3A_32 = tpu.memref_squeeze %dma_wait3A_31 : memref<1x69x128xi32, #tpu.memory_space<hbm>> -> memref<69x128xi32, #tpu.memory_space<hbm>>
      %dma_wait3A_33 = arith.constant 0 : i32
      %dma_wait3A_34 = arith.constant 0 : i32
      %dma_wait3A_35 = tpu.memref_slice %arg4[%add3A, %dma_wait3A_33, %dma_wait3A_34] : memref<32x69x128xi32, #tpu.memory_space<hbm>> -> memref<1x69x128xi32, #tpu.memory_space<hbm>>
      %dma_wait3A_36 = tpu.memref_squeeze %dma_wait3A_35 : memref<1x69x128xi32, #tpu.memory_space<hbm>> -> memref<69x128xi32, #tpu.memory_space<hbm>>
      tpu.wait_dma2 semaphore(%run_scoped3A : memref<!tpu.dma_semaphore, #tpu.memory_space<semaphore_mem>>) src(%dma_wait3A_36 : memref<69x128xi32, #tpu.memory_space<hbm>>) dst(%arg8 : memref<69x128xi32, #tpu.memory_space<vmem>>)
      tpu.yield
    }) : () -> ()
    %scan3A = arith.constant 0 : i32
    %scan3A_1 = arith.constant 0 : i32
    %scan3A_2 = arith.constant 128 : i32
    %scan3A_3 = arith.addi %scan3A_1, %scan3A_2 : i32
    %scan3A_4 = arith.constant 1 : i32
    scf.for %scan3A_23 = %scan3A_1 to %scan3A_3 step %scan3A_4  : i32 {
      %broadcast_in_dim3A = arith.constant 0.000000e+00 : f32
      %broadcast_in_dim3A_24 = vector.broadcast %broadcast_in_dim3A : f32 to vector<16xf32>
      %swap3A = arith.index_cast %scan3A_23 : i32 to index
      %swap3A_25 = arith.constant 0 : index
      %swap3A_26 = tpu.vector_load %arg15[%swap3A, %swap3A_25] {strides = array<i32>} : memref<128x16xf32, #tpu.memory_space<vmem>>, vector<1x16xf32>,
      %swap3A_27 = vector.shape_cast %swap3A_26 : vector<1x16xf32> to vector<16xf32>
      %swap3A_28 = vector.shape_cast %broadcast_in_dim3A_24 : vector<16xf32> to vector<1x16xf32>
      tpu.vector_store %arg15[%swap3A, %swap3A_25], %swap3A_28 {strides = array<i32>} : memref<128x16xf32, #tpu.memory_space<vmem>>, vector<1x16xf32>,
    }
    %scan3A_5 = arith.constant 128 : i32
    %scan3A_6 = arith.constant 0 : i32
    %scan3A_7 = arith.constant 0 : i32
    %scan3A_8 = arith.constant 46 : i32
    %scan3A_9 = arith.addi %scan3A_7, %scan3A_8 : i32
    %scan3A_10 = arith.constant 1 : i32
    scf.for %scan3A_23 = %scan3A_7 to %scan3A_9 step %scan3A_10  : i32 {
      %mul3A_24 = arith.constant 5888 : i32
      %mul3A_25 = arith.muli %arg1, %mul3A_24 : i32
      %mul3A_26 = arith.constant 128 : i32
      %mul3A_27 = arith.muli %scan3A_23, %mul3A_26 : i32
      %add3A_28 = arith.addi %mul3A_25, %mul3A_27 : i32
      "tpu.region"() ({
        %run_scoped3A = tpu.sem_alloc : memref<!tpu.dma_semaphore, #tpu.memory_space<semaphore_mem>>
        %dma_start3A = arith.constant 0 : i32
        %dma_start3A_29 = tpu.memref_slice %arg6[%add3A_28, %dma_start3A] : memref<94208x16xf32, #tpu.memory_space<vmem_shared>> -> memref<128x16xf32, #tpu.memory_space<vmem_shared>>
        %dma_start3A_30 = arith.constant 0 : i32
        %dma_start3A_31 = tpu.memref_slice %arg6[%add3A_28, %dma_start3A_30] : memref<94208x16xf32, #tpu.memory_space<vmem_shared>> -> memref<128x16xf32, #tpu.memory_space<vmem_shared>>
        tpu.enqueue_dma source(%arg15 : memref<128x16xf32, #tpu.memory_space<vmem>>) target(%dma_start3A_31 : memref<128x16xf32, #tpu.memory_space<vmem_shared>>) target_semaphore(%run_scoped3A : memref<!tpu.dma_semaphore, #tpu.memory_space<semaphore_mem>>)
        %dma_wait3A = arith.constant 0 : i32
        %dma_wait3A_32 = tpu.memref_slice %arg6[%add3A_28, %dma_wait3A] : memref<94208x16xf32, #tpu.memory_space<vmem_shared>> -> memref<128x16xf32, #tpu.memory_space<vmem_shared>>
        %dma_wait3A_33 = arith.constant 0 : i32
        %dma_wait3A_34 = tpu.memref_slice %arg6[%add3A_28, %dma_wait3A_33] : memref<94208x16xf32, #tpu.memory_space<vmem_shared>> -> memref<128x16xf32, #tpu.memory_space<vmem_shared>>
        tpu.wait_dma2 semaphore(%run_scoped3A : memref<!tpu.dma_semaphore, #tpu.memory_space<semaphore_mem>>) src(%arg15 : memref<128x16xf32, #tpu.memory_space<vmem>>) dst(%dma_wait3A_34 : memref<128x16xf32, #tpu.memory_space<vmem_shared>>)
        tpu.yield
      }) : () -> ()
    }
    %scan3A_11 = arith.constant 46 : i32
    %barrier3A = arith.constant 0 : index
    tpu.barrier barrier_id(%barrier3A)
    %scan3A_12 = arith.constant 0 : i32
    %scan3A_13 = arith.constant 0 : i32
    %scan3A_14 = arith.constant 23 : i32
    %scan3A_15 = arith.addi %scan3A_13, %scan3A_14 : i32
    %scan3A_16 = arith.constant 1 : i32
    scf.for %scan3A_23 = %scan3A_13 to %scan3A_15 step %scan3A_16  : i32 {
      %mul3A_24 = arith.constant 3 : i32
      %mul3A_25 = arith.muli %scan3A_23, %mul3A_24 : i32
      %add3A_26 = arith.constant 0 : i32
      %add3A_27 = arith.addi %mul3A_25, %add3A_26 : i32
      %dma_start3A = arith.constant 0 : i32
      %dma_start3A_28 = tpu.memref_slice %arg8[%add3A_27, %dma_start3A] : memref<69x128xi32, #tpu.memory_space<vmem>> -> memref<1x128xi32, #tpu.memory_space<vmem>>
      %dma_start3A_29 = tpu.memref_squeeze %dma_start3A_28 : memref<1x128xi32, #tpu.memory_space<vmem>> -> memref<128xi32, #tpu.memory_space<vmem>>
      %dma_start3A_30 = arith.constant 0 : i32
      %dma_start3A_31 = arith.constant 0 : i32
      %dma_start3A_32 = tpu.memref_slice %arg2[%dma_start3A_30, %dma_start3A_31] : memref<94208x16xf32, #tpu.memory_space<hbm>> -> memref<94208x16xf32, #tpu.memory_space<hbm>>
      tpu.enqueue_indirect_dma source(%dma_start3A_32 : memref<94208x16xf32, #tpu.memory_space<hbm>>) target(%arg9 : memref<128x16xf32, #tpu.memory_space<vmem>>) offsets(%dma_start3A_29 : memref<128xi32, #tpu.memory_space<vmem>>) semaphore(%arg16 : memref<!tpu.dma_semaphore, #tpu.memory_space<semaphore_mem>>)
      %dma_start3A_33 = arith.constant 0 : i32
      %dma_start3A_34 = tpu.memref_slice %arg7[%add3A_27, %dma_start3A_33] : memref<69x128xi32, #tpu.memory_space<vmem>> -> memref<1x128xi32, #tpu.memory_space<vmem>>
      %dma_start3A_35 = tpu.memref_squeeze %dma_start3A_34 : memref<1x128xi32, #tpu.memory_space<vmem>> -> memref<128xi32, #tpu.memory_space<vmem>>
      %dma_start3A_36 = arith.constant 0 : i32
      %dma_start3A_37 = arith.constant 0 : i32
      %dma_start3A_38 = tpu.memref_slice %arg2[%dma_start3A_36, %dma_start3A_37] : memref<94208x16xf32, #tpu.memory_space<hbm>> -> memref<94208x16xf32, #tpu.memory_space<hbm>>
      tpu.enqueue_indirect_dma source(%dma_start3A_38 : memref<94208x16xf32, #tpu.memory_space<hbm>>) target(%arg12 : memref<128x16xf32, #tpu.memory_space<vmem>>) offsets(%dma_start3A_35 : memref<128xi32, #tpu.memory_space<vmem>>) semaphore(%arg19 : memref<!tpu.dma_semaphore, #tpu.memory_space<semaphore_mem>>)
      %add3A_39 = arith.constant 1 : i32
      %add3A_40 = arith.addi %mul3A_25, %add3A_39 : i32
      %dma_start3A_41 = arith.constant 0 : i32
      %dma_start3A_42 = tpu.memref_slice %arg8[%add3A_40, %dma_start3A_41] : memref<69x128xi32, #tpu.memory_space<vmem>> -> memref<1x128xi32, #tpu.memory_space<vmem>>
      %dma_start3A_43 = tpu.memref_squeeze %dma_start3A_42 : memref<1x128xi32, #tpu.memory_space<vmem>> -> memref<128xi32, #tpu.memory_space<vmem>>
      %dma_start3A_44 = arith.constant 0 : i32
      %dma_start3A_45 = arith.constant 0 : i32
      %dma_start3A_46 = tpu.memref_slice %arg2[%dma_start3A_44, %dma_start3A_45] : memref<94208x16xf32, #tpu.memory_space<hbm>> -> memref<94208x16xf32, #tpu.memory_space<hbm>>
      tpu.enqueue_indirect_dma source(%dma_start3A_46 : memref<94208x16xf32, #tpu.memory_space<hbm>>) target(%arg10 : memref<128x16xf32, #tpu.memory_space<vmem>>) offsets(%dma_start3A_43 : memref<128xi32, #tpu.memory_space<vmem>>) semaphore(%arg17 : memref<!tpu.dma_semaphore, #tpu.memory_space<semaphore_mem>>)
      %dma_start3A_47 = arith.constant 0 : i32
      %dma_start3A_48 = tpu.memref_slice %arg7[%add3A_40, %dma_start3A_47] : memref<69x128xi32, #tpu.memory_space<vmem>> -> memref<1x128xi32, #tpu.memory_space<vmem>>
      %dma_start3A_49 = tpu.memref_squeeze %dma_start3A_48 : memref<1x128xi32, #tpu.memory_space<vmem>> -> memref<128xi32, #tpu.memory_space<vmem>>
      %dma_start3A_50 = arith.constant 0 : i32
      %dma_start3A_51 = arith.constant 0 : i32
      %dma_start3A_52 = tpu.memref_slice %arg2[%dma_start3A_50, %dma_start3A_51] : memref<94208x16xf32, #tpu.memory_space<hbm>> -> memref<94208x16xf32, #tpu.memory_space<hbm>>
      tpu.enqueue_indirect_dma source(%dma_start3A_52 : memref<94208x16xf32, #tpu.memory_space<hbm>>) target(%arg13 : memref<128x16xf32, #tpu.memory_space<vmem>>) offsets(%dma_start3A_49 : memref<128xi32, #tpu.memory_space<vmem>>) semaphore(%arg20 : memref<!tpu.dma_semaphore, #tpu.memory_space<semaphore_mem>>)
      %add3A_53 = arith.constant 2 : i32
      %add3A_54 = arith.addi %mul3A_25, %add3A_53 : i32
      %dma_start3A_55 = arith.constant 0 : i32
      %dma_start3A_56 = tpu.memref_slice %arg8[%add3A_54, %dma_start3A_55] : memref<69x128xi32, #tpu.memory_space<vmem>> -> memref<1x128xi32, #tpu.memory_space<vmem>>
      %dma_start3A_57 = tpu.memref_squeeze %dma_start3A_56 : memref<1x128xi32, #tpu.memory_space<vmem>> -> memref<128xi32, #tpu.memory_space<vmem>>
      %dma_start3A_58 = arith.constant 0 : i32
      %dma_start3A_59 = arith.constant 0 : i32
      %dma_start3A_60 = tpu.memref_slice %arg2[%dma_start3A_58, %dma_start3A_59] : memref<94208x16xf32, #tpu.memory_space<hbm>> -> memref<94208x16xf32, #tpu.memory_space<hbm>>
      tpu.enqueue_indirect_dma source(%dma_start3A_60 : memref<94208x16xf32, #tpu.memory_space<hbm>>) target(%arg11 : memref<128x16xf32, #tpu.memory_space<vmem>>) offsets(%dma_start3A_57 : memref<128xi32, #tpu.memory_space<vmem>>) semaphore(%arg18 : memref<!tpu.dma_semaphore, #tpu.memory_space<semaphore_mem>>)
      %dma_start3A_61 = arith.constant 0 : i32
      %dma_start3A_62 = tpu.memref_slice %arg7[%add3A_54, %dma_start3A_61] : memref<69x128xi32, #tpu.memory_space<vmem>> -> memref<1x128xi32, #tpu.memory_space<vmem>>
      %dma_start3A_63 = tpu.memref_squeeze %dma_start3A_62 : memref<1x128xi32, #tpu.memory_space<vmem>> -> memref<128xi32, #tpu.memory_space<vmem>>
      %dma_start3A_64 = arith.constant 0 : i32
      %dma_start3A_65 = arith.constant 0 : i32
      %dma_start3A_66 = tpu.memref_slice %arg2[%dma_start3A_64, %dma_start3A_65] : memref<94208x16xf32, #tpu.memory_space<hbm>> -> memref<94208x16xf32, #tpu.memory_space<hbm>>
      tpu.enqueue_indirect_dma source(%dma_start3A_66 : memref<94208x16xf32, #tpu.memory_space<hbm>>) target(%arg14 : memref<128x16xf32, #tpu.memory_space<vmem>>) offsets(%dma_start3A_63 : memref<128xi32, #tpu.memory_space<vmem>>) semaphore(%arg21 : memref<!tpu.dma_semaphore, #tpu.memory_space<semaphore_mem>>)
      %add3A_67 = arith.constant 0 : i32
      %add3A_68 = arith.addi %mul3A_25, %add3A_67 : i32
      %dma_wait3A = arith.constant 0 : i32
      %dma_wait3A_69 = tpu.memref_slice %arg8[%add3A_27, %dma_wait3A] : memref<69x128xi32, #tpu.memory_space<vmem>> -> memref<1x128xi32, #tpu.memory_space<vmem>>
      %dma_wait3A_70 = tpu.memref_squeeze %dma_wait3A_69 : memref<1x128xi32, #tpu.memory_space<vmem>> -> memref<128xi32, #tpu.memory_space<vmem>>
      %dma_wait3A_71 = arith.constant 0 : i32
      %dma_wait3A_72 = arith.constant 0 : i32
      %dma_wait3A_73 = tpu.memref_slice %arg2[%dma_wait3A_71, %dma_wait3A_72] : memref<94208x16xf32, #tpu.memory_space<hbm>> -> memref<94208x16xf32, #tpu.memory_space<hbm>>
      tpu.wait_indirect_dma semaphore(%arg16 : memref<!tpu.dma_semaphore, #tpu.memory_space<semaphore_mem>>) src(%dma_wait3A_73 : memref<94208x16xf32, #tpu.memory_space<hbm>>) dst(%arg9 : memref<128x16xf32, #tpu.memory_space<vmem>>)
      "tpu.region"() ({
        %run_scoped3A = tpu.sem_alloc : memref<!tpu.dma_semaphore, #tpu.memory_space<semaphore_mem>>
        %dma_start3A_108 = arith.constant 0 : i32
        %dma_start3A_109 = tpu.memref_slice %arg7[%add3A_68, %dma_start3A_108] : memref<69x128xi32, #tpu.memory_space<vmem>> -> memref<1x128xi32, #tpu.memory_space<vmem>>
        %dma_start3A_110 = tpu.memref_squeeze %dma_start3A_109 : memref<1x128xi32, #tpu.memory_space<vmem>> -> memref<128xi32, #tpu.memory_space<vmem>>
        %dma_start3A_111 = arith.constant 0 : i32
        %dma_start3A_112 = arith.constant 0 : i32
        %dma_start3A_113 = tpu.memref_slice %arg6[%dma_start3A_111, %dma_start3A_112] : memref<94208x16xf32, #tpu.memory_space<vmem_shared>> -> memref<94208x16xf32, #tpu.memory_space<vmem_shared>>
        tpu.enqueue_indirect_dma source(%arg9 : memref<128x16xf32, #tpu.memory_space<vmem>>) target(%dma_start3A_113 : memref<94208x16xf32, #tpu.memory_space<vmem_shared>>) offsets(%dma_start3A_110 : memref<128xi32, #tpu.memory_space<vmem>>) semaphore(%run_scoped3A : memref<!tpu.dma_semaphore, #tpu.memory_space<semaphore_mem>>) {add = true}
        %dma_wait3A_114 = arith.constant 0 : i32
        %dma_wait3A_115 = tpu.memref_slice %arg7[%add3A_68, %dma_wait3A_114] : memref<69x128xi32, #tpu.memory_space<vmem>> -> memref<1x128xi32, #tpu.memory_space<vmem>>
        %dma_wait3A_116 = tpu.memref_squeeze %dma_wait3A_115 : memref<1x128xi32, #tpu.memory_space<vmem>> -> memref<128xi32, #tpu.memory_space<vmem>>
        %dma_wait3A_117 = arith.constant 0 : i32
        %dma_wait3A_118 = arith.constant 0 : i32
        %dma_wait3A_119 = tpu.memref_slice %arg6[%dma_wait3A_117, %dma_wait3A_118] : memref<94208x16xf32, #tpu.memory_space<vmem_shared>> -> memref<94208x16xf32, #tpu.memory_space<vmem_shared>>
        tpu.wait_indirect_dma semaphore(%run_scoped3A : memref<!tpu.dma_semaphore, #tpu.memory_space<semaphore_mem>>) src(%arg9 : memref<128x16xf32, #tpu.memory_space<vmem>>) dst(%dma_wait3A_119 : memref<94208x16xf32, #tpu.memory_space<vmem_shared>>)
        tpu.yield
      }) : () -> ()
      %dma_wait3A_74 = arith.constant 0 : i32
      %dma_wait3A_75 = tpu.memref_slice %arg7[%add3A_27, %dma_wait3A_74] : memref<69x128xi32, #tpu.memory_space<vmem>> -> memref<1x128xi32, #tpu.memory_space<vmem>>
      %dma_wait3A_76 = tpu.memref_squeeze %dma_wait3A_75 : memref<1x128xi32, #tpu.memory_space<vmem>> -> memref<128xi32, #tpu.memory_space<vmem>>
      %dma_wait3A_77 = arith.constant 0 : i32
      %dma_wait3A_78 = arith.constant 0 : i32
      %dma_wait3A_79 = tpu.memref_slice %arg2[%dma_wait3A_77, %dma_wait3A_78] : memref<94208x16xf32, #tpu.memory_space<hbm>> -> memref<94208x16xf32, #tpu.memory_space<hbm>>
      tpu.wait_indirect_dma semaphore(%arg19 : memref<!tpu.dma_semaphore, #tpu.memory_space<semaphore_mem>>) src(%dma_wait3A_79 : memref<94208x16xf32, #tpu.memory_space<hbm>>) dst(%arg12 : memref<128x16xf32, #tpu.memory_space<vmem>>)
      "tpu.region"() ({
        %run_scoped3A = tpu.sem_alloc : memref<!tpu.dma_semaphore, #tpu.memory_space<semaphore_mem>>
        %dma_start3A_108 = arith.constant 0 : i32
        %dma_start3A_109 = tpu.memref_slice %arg8[%add3A_68, %dma_start3A_108] : memref<69x128xi32, #tpu.memory_space<vmem>> -> memref<1x128xi32, #tpu.memory_space<vmem>>
        %dma_start3A_110 = tpu.memref_squeeze %dma_start3A_109 : memref<1x128xi32, #tpu.memory_space<vmem>> -> memref<128xi32, #tpu.memory_space<vmem>>
        %dma_start3A_111 = arith.constant 0 : i32
        %dma_start3A_112 = arith.constant 0 : i32
        %dma_start3A_113 = tpu.memref_slice %arg6[%dma_start3A_111, %dma_start3A_112] : memref<94208x16xf32, #tpu.memory_space<vmem_shared>> -> memref<94208x16xf32, #tpu.memory_space<vmem_shared>>
        tpu.enqueue_indirect_dma source(%arg12 : memref<128x16xf32, #tpu.memory_space<vmem>>) target(%dma_start3A_113 : memref<94208x16xf32, #tpu.memory_space<vmem_shared>>) offsets(%dma_start3A_110 : memref<128xi32, #tpu.memory_space<vmem>>) semaphore(%run_scoped3A : memref<!tpu.dma_semaphore, #tpu.memory_space<semaphore_mem>>) {add = true}
        %dma_wait3A_114 = arith.constant 0 : i32
        %dma_wait3A_115 = tpu.memref_slice %arg8[%add3A_68, %dma_wait3A_114] : memref<69x128xi32, #tpu.memory_space<vmem>> -> memref<1x128xi32, #tpu.memory_space<vmem>>
        %dma_wait3A_116 = tpu.memref_squeeze %dma_wait3A_115 : memref<1x128xi32, #tpu.memory_space<vmem>> -> memref<128xi32, #tpu.memory_space<vmem>>
        %dma_wait3A_117 = arith.constant 0 : i32
        %dma_wait3A_118 = arith.constant 0 : i32
        %dma_wait3A_119 = tpu.memref_slice %arg6[%dma_wait3A_117, %dma_wait3A_118] : memref<94208x16xf32, #tpu.memory_space<vmem_shared>> -> memref<94208x16xf32, #tpu.memory_space<vmem_shared>>
        tpu.wait_indirect_dma semaphore(%run_scoped3A : memref<!tpu.dma_semaphore, #tpu.memory_space<semaphore_mem>>) src(%arg12 : memref<128x16xf32, #tpu.memory_space<vmem>>) dst(%dma_wait3A_119 : memref<94208x16xf32, #tpu.memory_space<vmem_shared>>)
        tpu.yield
      }) : () -> ()
      %add3A_80 = arith.constant 1 : i32
      %add3A_81 = arith.addi %mul3A_25, %add3A_80 : i32
      %dma_wait3A_82 = arith.constant 0 : i32
      %dma_wait3A_83 = tpu.memref_slice %arg8[%add3A_40, %dma_wait3A_82] : memref<69x128xi32, #tpu.memory_space<vmem>> -> memref<1x128xi32, #tpu.memory_space<vmem>>
      %dma_wait3A_84 = tpu.memref_squeeze %dma_wait3A_83 : memref<1x128xi32, #tpu.memory_space<vmem>> -> memref<128xi32, #tpu.memory_space<vmem>>
      %dma_wait3A_85 = arith.constant 0 : i32
      %dma_wait3A_86 = arith.constant 0 : i32
      %dma_wait3A_87 = tpu.memref_slice %arg2[%dma_wait3A_85, %dma_wait3A_86] : memref<94208x16xf32, #tpu.memory_space<hbm>> -> memref<94208x16xf32, #tpu.memory_space<hbm>>
      tpu.wait_indirect_dma semaphore(%arg17 : memref<!tpu.dma_semaphore, #tpu.memory_space<semaphore_mem>>) src(%dma_wait3A_87 : memref<94208x16xf32, #tpu.memory_space<hbm>>) dst(%arg10 : memref<128x16xf32, #tpu.memory_space<vmem>>)
      "tpu.region"() ({
        %run_scoped3A = tpu.sem_alloc : memref<!tpu.dma_semaphore, #tpu.memory_space<semaphore_mem>>
        %dma_start3A_108 = arith.constant 0 : i32
        %dma_start3A_109 = tpu.memref_slice %arg7[%add3A_81, %dma_start3A_108] : memref<69x128xi32, #tpu.memory_space<vmem>> -> memref<1x128xi32, #tpu.memory_space<vmem>>
        %dma_start3A_110 = tpu.memref_squeeze %dma_start3A_109 : memref<1x128xi32, #tpu.memory_space<vmem>> -> memref<128xi32, #tpu.memory_space<vmem>>
        %dma_start3A_111 = arith.constant 0 : i32
        %dma_start3A_112 = arith.constant 0 : i32
        %dma_start3A_113 = tpu.memref_slice %arg6[%dma_start3A_111, %dma_start3A_112] : memref<94208x16xf32, #tpu.memory_space<vmem_shared>> -> memref<94208x16xf32, #tpu.memory_space<vmem_shared>>
        tpu.enqueue_indirect_dma source(%arg10 : memref<128x16xf32, #tpu.memory_space<vmem>>) target(%dma_start3A_113 : memref<94208x16xf32, #tpu.memory_space<vmem_shared>>) offsets(%dma_start3A_110 : memref<128xi32, #tpu.memory_space<vmem>>) semaphore(%run_scoped3A : memref<!tpu.dma_semaphore, #tpu.memory_space<semaphore_mem>>) {add = true}
        %dma_wait3A_114 = arith.constant 0 : i32
        %dma_wait3A_115 = tpu.memref_slice %arg7[%add3A_81, %dma_wait3A_114] : memref<69x128xi32, #tpu.memory_space<vmem>> -> memref<1x128xi32, #tpu.memory_space<vmem>>
        %dma_wait3A_116 = tpu.memref_squeeze %dma_wait3A_115 : memref<1x128xi32, #tpu.memory_space<vmem>> -> memref<128xi32, #tpu.memory_space<vmem>>
        %dma_wait3A_117 = arith.constant 0 : i32
        %dma_wait3A_118 = arith.constant 0 : i32
        %dma_wait3A_119 = tpu.memref_slice %arg6[%dma_wait3A_117, %dma_wait3A_118] : memref<94208x16xf32, #tpu.memory_space<vmem_shared>> -> memref<94208x16xf32, #tpu.memory_space<vmem_shared>>
        tpu.wait_indirect_dma semaphore(%run_scoped3A : memref<!tpu.dma_semaphore, #tpu.memory_space<semaphore_mem>>) src(%arg10 : memref<128x16xf32, #tpu.memory_space<vmem>>) dst(%dma_wait3A_119 : memref<94208x16xf32, #tpu.memory_space<vmem_shared>>)
        tpu.yield
      }) : () -> ()
      %dma_wait3A_88 = arith.constant 0 : i32
      %dma_wait3A_89 = tpu.memref_slice %arg7[%add3A_40, %dma_wait3A_88] : memref<69x128xi32, #tpu.memory_space<vmem>> -> memref<1x128xi32, #tpu.memory_space<vmem>>
      %dma_wait3A_90 = tpu.memref_squeeze %dma_wait3A_89 : memref<1x128xi32, #tpu.memory_space<vmem>> -> memref<128xi32, #tpu.memory_space<vmem>>
      %dma_wait3A_91 = arith.constant 0 : i32
      %dma_wait3A_92 = arith.constant 0 : i32
      %dma_wait3A_93 = tpu.memref_slice %arg2[%dma_wait3A_91, %dma_wait3A_92] : memref<94208x16xf32, #tpu.memory_space<hbm>> -> memref<94208x16xf32, #tpu.memory_space<hbm>>
      tpu.wait_indirect_dma semaphore(%arg20 : memref<!tpu.dma_semaphore, #tpu.memory_space<semaphore_mem>>) src(%dma_wait3A_93 : memref<94208x16xf32, #tpu.memory_space<hbm>>) dst(%arg13 : memref<128x16xf32, #tpu.memory_space<vmem>>)
      "tpu.region"() ({
        %run_scoped3A = tpu.sem_alloc : memref<!tpu.dma_semaphore, #tpu.memory_space<semaphore_mem>>
        %dma_start3A_108 = arith.constant 0 : i32
        %dma_start3A_109 = tpu.memref_slice %arg8[%add3A_81, %dma_start3A_108] : memref<69x128xi32, #tpu.memory_space<vmem>> -> memref<1x128xi32, #tpu.memory_space<vmem>>
        %dma_start3A_110 = tpu.memref_squeeze %dma_start3A_109 : memref<1x128xi32, #tpu.memory_space<vmem>> -> memref<128xi32, #tpu.memory_space<vmem>>
        %dma_start3A_111 = arith.constant 0 : i32
        %dma_start3A_112 = arith.constant 0 : i32
        %dma_start3A_113 = tpu.memref_slice %arg6[%dma_start3A_111, %dma_start3A_112] : memref<94208x16xf32, #tpu.memory_space<vmem_shared>> -> memref<94208x16xf32, #tpu.memory_space<vmem_shared>>
        tpu.enqueue_indirect_dma source(%arg13 : memref<128x16xf32, #tpu.memory_space<vmem>>) target(%dma_start3A_113 : memref<94208x16xf32, #tpu.memory_space<vmem_shared>>) offsets(%dma_start3A_110 : memref<128xi32, #tpu.memory_space<vmem>>) semaphore(%run_scoped3A : memref<!tpu.dma_semaphore, #tpu.memory_space<semaphore_mem>>) {add = true}
        %dma_wait3A_114 = arith.constant 0 : i32
        %dma_wait3A_115 = tpu.memref_slice %arg8[%add3A_81, %dma_wait3A_114] : memref<69x128xi32, #tpu.memory_space<vmem>> -> memref<1x128xi32, #tpu.memory_space<vmem>>
        %dma_wait3A_116 = tpu.memref_squeeze %dma_wait3A_115 : memref<1x128xi32, #tpu.memory_space<vmem>> -> memref<128xi32, #tpu.memory_space<vmem>>
        %dma_wait3A_117 = arith.constant 0 : i32
        %dma_wait3A_118 = arith.constant 0 : i32
        %dma_wait3A_119 = tpu.memref_slice %arg6[%dma_wait3A_117, %dma_wait3A_118] : memref<94208x16xf32, #tpu.memory_space<vmem_shared>> -> memref<94208x16xf32, #tpu.memory_space<vmem_shared>>
        tpu.wait_indirect_dma semaphore(%run_scoped3A : memref<!tpu.dma_semaphore, #tpu.memory_space<semaphore_mem>>) src(%arg13 : memref<128x16xf32, #tpu.memory_space<vmem>>) dst(%dma_wait3A_119 : memref<94208x16xf32, #tpu.memory_space<vmem_shared>>)
        tpu.yield
      }) : () -> ()
      %add3A_94 = arith.constant 2 : i32
      %add3A_95 = arith.addi %mul3A_25, %add3A_94 : i32
      %dma_wait3A_96 = arith.constant 0 : i32
      %dma_wait3A_97 = tpu.memref_slice %arg8[%add3A_54, %dma_wait3A_96] : memref<69x128xi32, #tpu.memory_space<vmem>> -> memref<1x128xi32, #tpu.memory_space<vmem>>
      %dma_wait3A_98 = tpu.memref_squeeze %dma_wait3A_97 : memref<1x128xi32, #tpu.memory_space<vmem>> -> memref<128xi32, #tpu.memory_space<vmem>>
      %dma_wait3A_99 = arith.constant 0 : i32
      %dma_wait3A_100 = arith.constant 0 : i32
      %dma_wait3A_101 = tpu.memref_slice %arg2[%dma_wait3A_99, %dma_wait3A_100] : memref<94208x16xf32, #tpu.memory_space<hbm>> -> memref<94208x16xf32, #tpu.memory_space<hbm>>
      tpu.wait_indirect_dma semaphore(%arg18 : memref<!tpu.dma_semaphore, #tpu.memory_space<semaphore_mem>>) src(%dma_wait3A_101 : memref<94208x16xf32, #tpu.memory_space<hbm>>) dst(%arg11 : memref<128x16xf32, #tpu.memory_space<vmem>>)
      "tpu.region"() ({
        %run_scoped3A = tpu.sem_alloc : memref<!tpu.dma_semaphore, #tpu.memory_space<semaphore_mem>>
        %dma_start3A_108 = arith.constant 0 : i32
        %dma_start3A_109 = tpu.memref_slice %arg7[%add3A_95, %dma_start3A_108] : memref<69x128xi32, #tpu.memory_space<vmem>> -> memref<1x128xi32, #tpu.memory_space<vmem>>
        %dma_start3A_110 = tpu.memref_squeeze %dma_start3A_109 : memref<1x128xi32, #tpu.memory_space<vmem>> -> memref<128xi32, #tpu.memory_space<vmem>>
        %dma_start3A_111 = arith.constant 0 : i32
        %dma_start3A_112 = arith.constant 0 : i32
        %dma_start3A_113 = tpu.memref_slice %arg6[%dma_start3A_111, %dma_start3A_112] : memref<94208x16xf32, #tpu.memory_space<vmem_shared>> -> memref<94208x16xf32, #tpu.memory_space<vmem_shared>>
        tpu.enqueue_indirect_dma source(%arg11 : memref<128x16xf32, #tpu.memory_space<vmem>>) target(%dma_start3A_113 : memref<94208x16xf32, #tpu.memory_space<vmem_shared>>) offsets(%dma_start3A_110 : memref<128xi32, #tpu.memory_space<vmem>>) semaphore(%run_scoped3A : memref<!tpu.dma_semaphore, #tpu.memory_space<semaphore_mem>>) {add = true}
        %dma_wait3A_114 = arith.constant 0 : i32
        %dma_wait3A_115 = tpu.memref_slice %arg7[%add3A_95, %dma_wait3A_114] : memref<69x128xi32, #tpu.memory_space<vmem>> -> memref<1x128xi32, #tpu.memory_space<vmem>>
        %dma_wait3A_116 = tpu.memref_squeeze %dma_wait3A_115 : memref<1x128xi32, #tpu.memory_space<vmem>> -> memref<128xi32, #tpu.memory_space<vmem>>
        %dma_wait3A_117 = arith.constant 0 : i32
        %dma_wait3A_118 = arith.constant 0 : i32
        %dma_wait3A_119 = tpu.memref_slice %arg6[%dma_wait3A_117, %dma_wait3A_118] : memref<94208x16xf32, #tpu.memory_space<vmem_shared>> -> memref<94208x16xf32, #tpu.memory_space<vmem_shared>>
        tpu.wait_indirect_dma semaphore(%run_scoped3A : memref<!tpu.dma_semaphore, #tpu.memory_space<semaphore_mem>>) src(%arg11 : memref<128x16xf32, #tpu.memory_space<vmem>>) dst(%dma_wait3A_119 : memref<94208x16xf32, #tpu.memory_space<vmem_shared>>)
        tpu.yield
      }) : () -> ()
      %dma_wait3A_102 = arith.constant 0 : i32
      %dma_wait3A_103 = tpu.memref_slice %arg7[%add3A_54, %dma_wait3A_102] : memref<69x128xi32, #tpu.memory_space<vmem>> -> memref<1x128xi32, #tpu.memory_space<vmem>>
      %dma_wait3A_104 = tpu.memref_squeeze %dma_wait3A_103 : memref<1x128xi32, #tpu.memory_space<vmem>> -> memref<128xi32, #tpu.memory_space<vmem>>
      %dma_wait3A_105 = arith.constant 0 : i32
      %dma_wait3A_106 = arith.constant 0 : i32
      %dma_wait3A_107 = tpu.memref_slice %arg2[%dma_wait3A_105, %dma_wait3A_106] : memref<94208x16xf32, #tpu.memory_space<hbm>> -> memref<94208x16xf32, #tpu.memory_space<hbm>>
      tpu.wait_indirect_dma semaphore(%arg21 : memref<!tpu.dma_semaphore, #tpu.memory_space<semaphore_mem>>) src(%dma_wait3A_107 : memref<94208x16xf32, #tpu.memory_space<hbm>>) dst(%arg14 : memref<128x16xf32, #tpu.memory_space<vmem>>)
      "tpu.region"() ({
        %run_scoped3A = tpu.sem_alloc : memref<!tpu.dma_semaphore, #tpu.memory_space<semaphore_mem>>
        %dma_start3A_108 = arith.constant 0 : i32
        %dma_start3A_109 = tpu.memref_slice %arg8[%add3A_95, %dma_start3A_108] : memref<69x128xi32, #tpu.memory_space<vmem>> -> memref<1x128xi32, #tpu.memory_space<vmem>>
        %dma_start3A_110 = tpu.memref_squeeze %dma_start3A_109 : memref<1x128xi32, #tpu.memory_space<vmem>> -> memref<128xi32, #tpu.memory_space<vmem>>
        %dma_start3A_111 = arith.constant 0 : i32
        %dma_start3A_112 = arith.constant 0 : i32
        %dma_start3A_113 = tpu.memref_slice %arg6[%dma_start3A_111, %dma_start3A_112] : memref<94208x16xf32, #tpu.memory_space<vmem_shared>> -> memref<94208x16xf32, #tpu.memory_space<vmem_shared>>
        tpu.enqueue_indirect_dma source(%arg14 : memref<128x16xf32, #tpu.memory_space<vmem>>) target(%dma_start3A_113 : memref<94208x16xf32, #tpu.memory_space<vmem_shared>>) offsets(%dma_start3A_110 : memref<128xi32, #tpu.memory_space<vmem>>) semaphore(%run_scoped3A : memref<!tpu.dma_semaphore, #tpu.memory_space<semaphore_mem>>) {add = true}
        %dma_wait3A_114 = arith.constant 0 : i32
        %dma_wait3A_115 = tpu.memref_slice %arg8[%add3A_95, %dma_wait3A_114] : memref<69x128xi32, #tpu.memory_space<vmem>> -> memref<1x128xi32, #tpu.memory_space<vmem>>
        %dma_wait3A_116 = tpu.memref_squeeze %dma_wait3A_115 : memref<1x128xi32, #tpu.memory_space<vmem>> -> memref<128xi32, #tpu.memory_space<vmem>>
        %dma_wait3A_117 = arith.constant 0 : i32
        %dma_wait3A_118 = arith.constant 0 : i32
        %dma_wait3A_119 = tpu.memref_slice %arg6[%dma_wait3A_117, %dma_wait3A_118] : memref<94208x16xf32, #tpu.memory_space<vmem_shared>> -> memref<94208x16xf32, #tpu.memory_space<vmem_shared>>
        tpu.wait_indirect_dma semaphore(%run_scoped3A : memref<!tpu.dma_semaphore, #tpu.memory_space<semaphore_mem>>) src(%arg14 : memref<128x16xf32, #tpu.memory_space<vmem>>) dst(%dma_wait3A_119 : memref<94208x16xf32, #tpu.memory_space<vmem_shared>>)
        tpu.yield
      }) : () -> ()
    }
    %scan3A_17 = arith.constant 23 : i32
    %barrier3A_18 = arith.constant 0 : index
    tpu.barrier barrier_id(%barrier3A_18)
    %mul3A_19 = arith.constant 5888 : i32
    %mul3A_20 = arith.muli %arg1, %mul3A_19 : i32
    %mul3A_21 = arith.constant 5888 : i32
    %mul3A_22 = arith.muli %arg1, %mul3A_21 : i32
    "tpu.region"() ({
      %run_scoped3A = tpu.sem_alloc : memref<!tpu.dma_semaphore, #tpu.memory_space<semaphore_mem>>
      %dma_start3A = arith.constant 0 : i32
      %dma_start3A_23 = tpu.memref_slice %arg5[%arg0, %mul3A_22, %dma_start3A] : memref<2x94208x16xf32, #tpu.memory_space<hbm>> -> memref<1x5888x16xf32, #tpu.memory_space<hbm>>
      %dma_start3A_24 = tpu.memref_squeeze %dma_start3A_23 : memref<1x5888x16xf32, #tpu.memory_space<hbm>> -> memref<5888x16xf32, #tpu.memory_space<hbm>>
      %dma_start3A_25 = arith.constant 0 : i32
      %dma_start3A_26 = tpu.memref_slice %arg6[%mul3A_20, %dma_start3A_25] : memref<94208x16xf32, #tpu.memory_space<vmem_shared>> -> memref<5888x16xf32, #tpu.memory_space<vmem_shared>>
      tpu.enqueue_dma source(%dma_start3A_26 : memref<5888x16xf32, #tpu.memory_space<vmem_shared>>) target(%dma_start3A_24 : memref<5888x16xf32, #tpu.memory_space<hbm>>) target_semaphore(%run_scoped3A : memref<!tpu.dma_semaphore, #tpu.memory_space<semaphore_mem>>)
      %dma_wait3A = arith.constant 0 : i32
      %dma_wait3A_27 = tpu.memref_slice %arg5[%arg0, %mul3A_22, %dma_wait3A] : memref<2x94208x16xf32, #tpu.memory_space<hbm>> -> memref<1x5888x16xf32, #tpu.memory_space<hbm>>
      %dma_wait3A_28 = tpu.memref_squeeze %dma_wait3A_27 : memref<1x5888x16xf32, #tpu.memory_space<hbm>> -> memref<5888x16xf32, #tpu.memory_space<hbm>>
      %dma_wait3A_29 = arith.constant 0 : i32
      %dma_wait3A_30 = tpu.memref_slice %arg6[%mul3A_20, %dma_wait3A_29] : memref<94208x16xf32, #tpu.memory_space<vmem_shared>> -> memref<5888x16xf32, #tpu.memory_space<vmem_shared>>
      tpu.wait_dma2 semaphore(%run_scoped3A : memref<!tpu.dma_semaphore, #tpu.memory_space<semaphore_mem>>) src(%dma_wait3A_30 : memref<5888x16xf32, #tpu.memory_space<vmem_shared>>) dst(%dma_wait3A_28 : memref<5888x16xf32, #tpu.memory_space<hbm>>)
      tpu.yield
    }) : () -> ()
    return
  }
}

module attributes {stable_mosaic.version = 14 : i64} {
  func.func @_dense1_body(%arg0: i32, %arg1: memref<736x128xf32, #tpu.memory_space<vmem>>, %arg2: memref<2x736x128xf32, #tpu.memory_space<vmem>>, %arg3: memref<128x128xf32, #tpu.memory_space<vmem>>, %arg4: memref<128x128xf32, #tpu.memory_space<vmem>>, %arg5: memref<736x128xf32, #tpu.memory_space<vmem>>) attributes {dimension_semantics = [#tpu.dimension_semantics<arbitrary>], iteration_bounds = array<i64: 16>, scalar_prefetch = 0 : i64, scratch_operands = 0 : i64, tpu.core_type = #tpu.core_type<tc>, window_params = [{transform_indices = @transform_0, window_bounds = array<i64: 736, 128>}, {transform_indices = @transform_1, window_bounds = array<i64: 2, 736, 128>}, {pipeline_mode = #tpu.pipeline_mode<synchronous>, transform_indices = @transform_2, window_bounds = array<i64: 128, 128>}, {pipeline_mode = #tpu.pipeline_mode<synchronous>, transform_indices = @transform_3, window_bounds = array<i64: 128, 128>}, {transform_indices = @transform_4, window_bounds = array<i64: 736, 128>}]} {
    %get3A = arith.constant 0 : index
    %get3A_0 = arith.constant 0 : index
    %get3A_1 = arith.constant 0 : index
    %get3A_2 = vector.load %arg2[%get3A, %get3A_0, %get3A_1] : memref<2x736x128xf32, #tpu.memory_space<vmem>>, vector<1x736x128xf32>
    %get3A_3 = vector.shape_cast %get3A_2 : vector<1x736x128xf32> to vector<736x128xf32>
    %get3A_4 = arith.constant 1 : index
    %get3A_5 = arith.constant 0 : index
    %get3A_6 = arith.constant 0 : index
    %get3A_7 = vector.load %arg2[%get3A_4, %get3A_5, %get3A_6] : memref<2x736x128xf32, #tpu.memory_space<vmem>>, vector<1x736x128xf32>
    %get3A_8 = vector.shape_cast %get3A_7 : vector<1x736x128xf32> to vector<736x128xf32>
    %add3A = arith.addf %get3A_3, %get3A_8 : vector<736x128xf32>
    %get3A_9 = arith.constant 0 : index
    %get3A_10 = arith.constant 0 : index
    %get3A_11 = vector.load %arg1[%get3A_9, %get3A_10] : memref<736x128xf32, #tpu.memory_space<vmem>>, vector<736x128xf32>
    %get3A_12 = arith.constant 0 : index
    %get3A_13 = arith.constant 0 : index
    %get3A_14 = vector.load %arg3[%get3A_12, %get3A_13] : memref<128x128xf32, #tpu.memory_space<vmem>>, vector<128x128xf32>
    %dot_general3A = arith.constant dense<0.000000e+00> : vector<736x128xf32>
    %dot_general3A_15 = tpu.matmul %get3A_11, %get3A_14, %dot_general3A {dimension_numbers = #tpu.dot_dimension_numbers<[1], [0], [0], [1], [0, 0, 1, 1], [], []>, transpose_lhs_hint = false} : vector<736x128xf32>, vector<128x128xf32>, vector<736x128xf32> -> vector<736x128xf32>
    %get3A_16 = arith.constant 0 : index
    %get3A_17 = arith.constant 0 : index
    %get3A_18 = vector.load %arg4[%get3A_16, %get3A_17] : memref<128x128xf32, #tpu.memory_space<vmem>>, vector<128x128xf32>
    %dot_general3A_19 = arith.constant dense<0.000000e+00> : vector<736x128xf32>
    %dot_general3A_20 = tpu.matmul %add3A, %get3A_18, %dot_general3A_19 {dimension_numbers = #tpu.dot_dimension_numbers<[1], [0], [0], [1], [0, 0, 1, 1], [], []>, transpose_lhs_hint = false} : vector<736x128xf32>, vector<128x128xf32>, vector<736x128xf32> -> vector<736x128xf32>
    %add3A_21 = arith.addf %dot_general3A_15, %dot_general3A_20 : vector<736x128xf32>
    %ge3A = arith.constant 0.000000e+00 : f32
    %ge3A_22 = vector.broadcast %ge3A : f32 to vector<736x128xf32>
    %ge3A_23 = arith.cmpf oge, %add3A_21, %ge3A_22 : vector<736x128xf32>
    %mul3A = arith.constant 0.00999999977 : f32
    %mul3A_24 = vector.broadcast %mul3A : f32 to vector<736x128xf32>
    %mul3A_25 = arith.mulf %mul3A_24, %add3A_21 : vector<736x128xf32>
    %select_n3A = arith.select %ge3A_23, %add3A_21, %mul3A_25 : vector<736x128xi1>, vector<736x128xf32>
    %swap3A = arith.constant 0 : index
    %swap3A_26 = arith.constant 0 : index
    %swap3A_27 = vector.load %arg5[%swap3A, %swap3A_26] : memref<736x128xf32, #tpu.memory_space<vmem>>, vector<736x128xf32>
    tpu.vector_store %arg5[%swap3A, %swap3A_26], %select_n3A {strides = array<i32>} : memref<736x128xf32, #tpu.memory_space<vmem>>, vector<736x128xf32>,
    return
  }
  func.func @transform_0(%arg0: i32) -> (i32, i32) {
    %c0_i32 = arith.constant 0 : i32
    %c0_i32_0 = arith.constant 0 : i32
    return %arg0, %c0_i32 : i32, i32
  }
  func.func @transform_1(%arg0: i32) -> (i32, i32, i32) {
    %c0_i32 = arith.constant 0 : i32
    %c0_i32_0 = arith.constant 0 : i32
    %c0_i32_1 = arith.constant 0 : i32
    return %c0_i32, %arg0, %c0_i32_0 : i32, i32, i32
  }
  func.func @transform_2(%arg0: i32) -> (i32, i32) {
    %c0_i32 = arith.constant 0 : i32
    %c0_i32_0 = arith.constant 0 : i32
    %c0_i32_1 = arith.constant 0 : i32
    return %c0_i32, %c0_i32_0 : i32, i32
  }
  func.func @transform_3(%arg0: i32) -> (i32, i32) {
    %c0_i32 = arith.constant 0 : i32
    %c0_i32_0 = arith.constant 0 : i32
    %c0_i32_1 = arith.constant 0 : i32
    return %c0_i32, %c0_i32_0 : i32, i32
  }
  func.func @transform_4(%arg0: i32) -> (i32, i32) {
    %c0_i32 = arith.constant 0 : i32
    %c0_i32_0 = arith.constant 0 : i32
    return %arg0, %c0_i32 : i32, i32
  }
}

module attributes {stable_mosaic.version = 14 : i64} {
  func.func @_dense2_body(%arg0: i32, %arg1: memref<736x128xf32, #tpu.memory_space<vmem>>, %arg2: memref<2x736x128xf32, #tpu.memory_space<vmem>>, %arg3: memref<128x256xf32, #tpu.memory_space<vmem>>, %arg4: memref<128x256xf32, #tpu.memory_space<vmem>>, %arg5: memref<256x128xf32, #tpu.memory_space<vmem>>, %arg6: memref<1x128xf32, #tpu.memory_space<vmem>>, %arg7: memref<736x128xf32, #tpu.memory_space<vmem>>) attributes {dimension_semantics = [#tpu.dimension_semantics<arbitrary>], iteration_bounds = array<i64: 16>, scalar_prefetch = 0 : i64, scratch_operands = 0 : i64, tpu.core_type = #tpu.core_type<tc>, window_params = [{transform_indices = @transform_0, window_bounds = array<i64: 736, 128>}, {transform_indices = @transform_1, window_bounds = array<i64: 2, 736, 128>}, {pipeline_mode = #tpu.pipeline_mode<synchronous>, transform_indices = @transform_2, window_bounds = array<i64: 128, 256>}, {pipeline_mode = #tpu.pipeline_mode<synchronous>, transform_indices = @transform_3, window_bounds = array<i64: 128, 256>}, {pipeline_mode = #tpu.pipeline_mode<synchronous>, transform_indices = @transform_4, window_bounds = array<i64: 256, 128>}, {pipeline_mode = #tpu.pipeline_mode<synchronous>, transform_indices = @transform_5, window_bounds = array<i64: 1, 128>}, {transform_indices = @transform_6, window_bounds = array<i64: 736, 128>}]} {
    %get3A = arith.constant 0 : index
    %get3A_0 = arith.constant 0 : index
    %get3A_1 = arith.constant 0 : index
    %get3A_2 = vector.load %arg2[%get3A, %get3A_0, %get3A_1] : memref<2x736x128xf32, #tpu.memory_space<vmem>>, vector<1x736x128xf32>
    %get3A_3 = vector.shape_cast %get3A_2 : vector<1x736x128xf32> to vector<736x128xf32>
    %get3A_4 = arith.constant 1 : index
    %get3A_5 = arith.constant 0 : index
    %get3A_6 = arith.constant 0 : index
    %get3A_7 = vector.load %arg2[%get3A_4, %get3A_5, %get3A_6] : memref<2x736x128xf32, #tpu.memory_space<vmem>>, vector<1x736x128xf32>
    %get3A_8 = vector.shape_cast %get3A_7 : vector<1x736x128xf32> to vector<736x128xf32>
    %add3A = arith.addf %get3A_3, %get3A_8 : vector<736x128xf32>
    %get3A_9 = arith.constant 0 : index
    %get3A_10 = arith.constant 0 : index
    %get3A_11 = vector.load %arg1[%get3A_9, %get3A_10] : memref<736x128xf32, #tpu.memory_space<vmem>>, vector<736x128xf32>
    %get3A_12 = arith.constant 0 : index
    %get3A_13 = arith.constant 0 : index
    %get3A_14 = vector.load %arg3[%get3A_12, %get3A_13] : memref<128x256xf32, #tpu.memory_space<vmem>>, vector<128x256xf32>
    %dot_general3A = arith.constant dense<0.000000e+00> : vector<736x256xf32>
    %dot_general3A_15 = tpu.matmul %get3A_11, %get3A_14, %dot_general3A {dimension_numbers = #tpu.dot_dimension_numbers<[1], [0], [0], [1], [0, 0, 1, 1], [], []>, transpose_lhs_hint = false} : vector<736x128xf32>, vector<128x256xf32>, vector<736x256xf32> -> vector<736x256xf32>
    %get3A_16 = arith.constant 0 : index
    %get3A_17 = arith.constant 0 : index
    %get3A_18 = vector.load %arg4[%get3A_16, %get3A_17] : memref<128x256xf32, #tpu.memory_space<vmem>>, vector<128x256xf32>
    %dot_general3A_19 = arith.constant dense<0.000000e+00> : vector<736x256xf32>
    %dot_general3A_20 = tpu.matmul %add3A, %get3A_18, %dot_general3A_19 {dimension_numbers = #tpu.dot_dimension_numbers<[1], [0], [0], [1], [0, 0, 1, 1], [], []>, transpose_lhs_hint = false} : vector<736x128xf32>, vector<128x256xf32>, vector<736x256xf32> -> vector<736x256xf32>
    %add3A_21 = arith.addf %dot_general3A_15, %dot_general3A_20 : vector<736x256xf32>
    %ge3A = arith.constant 0.000000e+00 : f32
    %ge3A_22 = vector.broadcast %ge3A : f32 to vector<736x256xf32>
    %ge3A_23 = arith.cmpf oge, %add3A_21, %ge3A_22 : vector<736x256xf32>
    %mul3A = arith.constant 0.00999999977 : f32
    %mul3A_24 = vector.broadcast %mul3A : f32 to vector<736x256xf32>
    %mul3A_25 = arith.mulf %mul3A_24, %add3A_21 : vector<736x256xf32>
    %select_n3A = arith.select %ge3A_23, %add3A_21, %mul3A_25 : vector<736x256xi1>, vector<736x256xf32>
    %get3A_26 = arith.constant 0 : index
    %get3A_27 = arith.constant 0 : index
    %get3A_28 = vector.load %arg5[%get3A_26, %get3A_27] : memref<256x128xf32, #tpu.memory_space<vmem>>, vector<256x128xf32>
    %dot_general3A_29 = arith.constant dense<0.000000e+00> : vector<736x128xf32>
    %dot_general3A_30 = tpu.matmul %select_n3A, %get3A_28, %dot_general3A_29 {dimension_numbers = #tpu.dot_dimension_numbers<[1], [0], [0], [1], [0, 0, 1, 1], [], []>, transpose_lhs_hint = false} : vector<736x256xf32>, vector<256x128xf32>, vector<736x128xf32> -> vector<736x128xf32>
    %get3A_31 = arith.constant 0 : index
    %get3A_32 = arith.constant 0 : index
    %get3A_33 = vector.load %arg6[%get3A_31, %get3A_32] : memref<1x128xf32, #tpu.memory_space<vmem>>, vector<1x128xf32>
    %add3A_34 = vector.broadcast %get3A_33 : vector<1x128xf32> to vector<736x128xf32>
    %add3A_35 = arith.addf %dot_general3A_30, %add3A_34 : vector<736x128xf32>
    %ge3A_36 = arith.constant 0.000000e+00 : f32
    %ge3A_37 = vector.broadcast %ge3A_36 : f32 to vector<736x128xf32>
    %ge3A_38 = arith.cmpf oge, %add3A_35, %ge3A_37 : vector<736x128xf32>
    %mul3A_39 = arith.constant 0.00999999977 : f32
    %mul3A_40 = vector.broadcast %mul3A_39 : f32 to vector<736x128xf32>
    %mul3A_41 = arith.mulf %mul3A_40, %add3A_35 : vector<736x128xf32>
    %select_n3A_42 = arith.select %ge3A_38, %add3A_35, %mul3A_41 : vector<736x128xi1>, vector<736x128xf32>
    %iota3A = tpu.iota {dimensions = array<i32: 0>} : vector<736x128xi32>
    %iota3A_43 = tpu.iota {dimensions = array<i32: 1>} : vector<736x128xi32>
    %mul3A_44 = arith.constant 8 : i32
    %mul3A_45 = vector.broadcast %mul3A_44 : i32 to vector<736x128xi32>
    %mul3A_46 = arith.muli %iota3A, %mul3A_45 : vector<736x128xi32>
    %jit3A = arith.constant 16 : i32
    %div3A = vector.broadcast %jit3A : i32 to vector<736x128xi32>
    %div3A_47 = arith.divsi %iota3A_43, %div3A : vector<736x128xi32>
    %sign3A = arith.constant 0 : i32
    %sign3A_48 = vector.broadcast %sign3A : i32 to vector<736x128xi32>
    %sign3A_49 = arith.cmpi sgt, %iota3A_43, %sign3A_48 : vector<736x128xi32>
    %sign3A_50 = arith.extui %sign3A_49 : vector<736x128xi1> to vector<736x128xi32>
    %sign3A_51 = arith.constant 0 : i32
    %sign3A_52 = vector.broadcast %sign3A_51 : i32 to vector<736x128xi32>
    %sign3A_53 = arith.cmpi slt, %iota3A_43, %sign3A_52 : vector<736x128xi32>
    %sign3A_54 = arith.extui %sign3A_53 : vector<736x128xi1> to vector<736x128xi32>
    %sign3A_55 = arith.subi %sign3A_50, %sign3A_54 : vector<736x128xi32>
    %sign3A_56 = arith.constant 0 : i32
    %sign3A_57 = arith.cmpi sgt, %jit3A, %sign3A_56 : i32
    %sign3A_58 = arith.extui %sign3A_57 : i1 to i32
    %sign3A_59 = arith.constant 0 : i32
    %sign3A_60 = arith.cmpi slt, %jit3A, %sign3A_59 : i32
    %sign3A_61 = arith.extui %sign3A_60 : i1 to i32
    %sign3A_62 = arith.subi %sign3A_58, %sign3A_61 : i32
    %ne3A = vector.broadcast %sign3A_62 : i32 to vector<736x128xi32>
    %ne3A_63 = arith.cmpi ne, %sign3A_55, %ne3A : vector<736x128xi32>
    %rem3A = vector.broadcast %jit3A : i32 to vector<736x128xi32>
    %rem3A_64 = arith.remsi %iota3A_43, %rem3A : vector<736x128xi32>
    %ne3A_65 = arith.constant 0 : i32
    %ne3A_66 = vector.broadcast %ne3A_65 : i32 to vector<736x128xi32>
    %ne3A_67 = arith.cmpi ne, %rem3A_64, %ne3A_66 : vector<736x128xi32>
    %and3A = arith.andi %ne3A_63, %ne3A_67 : vector<736x128xi1>
    %sub3A = arith.constant 1 : i32
    %sub3A_68 = vector.broadcast %sub3A : i32 to vector<736x128xi32>
    %sub3A_69 = arith.subi %div3A_47, %sub3A_68 : vector<736x128xi32>
    %select_n3A_70 = arith.select %and3A, %sub3A_69, %div3A_47 : vector<736x128xi1>, vector<736x128xi32>
    %add3A_71 = arith.addi %mul3A_46, %select_n3A_70 : vector<736x128xi32>
    %lt3A = arith.constant 5850 : i32
    %lt3A_72 = vector.broadcast %lt3A : i32 to vector<736x128xi32>
    %lt3A_73 = arith.cmpi slt, %add3A_71, %lt3A_72 : vector<736x128xi32>
    %jit3A_74 = arith.constant 0.000000e+00 : f32
    %broadcast_in_dim3A = vector.broadcast %jit3A_74 : f32 to vector<736x128xf32>
    %select_n3A_75 = arith.select %lt3A_73, %select_n3A_42, %broadcast_in_dim3A : vector<736x128xi1>, vector<736x128xf32>
    %swap3A = arith.constant 0 : index
    %swap3A_76 = arith.constant 0 : index
    %swap3A_77 = vector.load %arg7[%swap3A, %swap3A_76] : memref<736x128xf32, #tpu.memory_space<vmem>>, vector<736x128xf32>
    tpu.vector_store %arg7[%swap3A, %swap3A_76], %select_n3A_75 {strides = array<i32>} : memref<736x128xf32, #tpu.memory_space<vmem>>, vector<736x128xf32>,
    return
  }
  func.func @transform_0(%arg0: i32) -> (i32, i32) {
    %c0_i32 = arith.constant 0 : i32
    %c0_i32_0 = arith.constant 0 : i32
    return %arg0, %c0_i32 : i32, i32
  }
  func.func @transform_1(%arg0: i32) -> (i32, i32, i32) {
    %c0_i32 = arith.constant 0 : i32
    %c0_i32_0 = arith.constant 0 : i32
    %c0_i32_1 = arith.constant 0 : i32
    return %c0_i32, %arg0, %c0_i32_0 : i32, i32, i32
  }
  func.func @transform_2(%arg0: i32) -> (i32, i32) {
    %c0_i32 = arith.constant 0 : i32
    %c0_i32_0 = arith.constant 0 : i32
    %c0_i32_1 = arith.constant 0 : i32
    return %c0_i32, %c0_i32_0 : i32, i32
  }
  func.func @transform_3(%arg0: i32) -> (i32, i32) {
    %c0_i32 = arith.constant 0 : i32
    %c0_i32_0 = arith.constant 0 : i32
    %c0_i32_1 = arith.constant 0 : i32
    return %c0_i32, %c0_i32_0 : i32, i32
  }
  func.func @transform_4(%arg0: i32) -> (i32, i32) {
    %c0_i32 = arith.constant 0 : i32
    %c0_i32_0 = arith.constant 0 : i32
    %c0_i32_1 = arith.constant 0 : i32
    return %c0_i32, %c0_i32_0 : i32, i32
  }
  func.func @transform_5(%arg0: i32) -> (i32, i32) {
    %c0_i32 = arith.constant 0 : i32
    %c0_i32_0 = arith.constant 0 : i32
    %c0_i32_1 = arith.constant 0 : i32
    return %c0_i32, %c0_i32_0 : i32, i32
  }
  func.func @transform_6(%arg0: i32) -> (i32, i32) {
    %c0_i32 = arith.constant 0 : i32
    %c0_i32_0 = arith.constant 0 : i32
    return %arg0, %c0_i32 : i32, i32
  }
}

module attributes {stable_mosaic.version = 14 : i64} {
  func.func @_fc2_body(%arg0: i32, %arg1: memref<16x16x128xf32, #tpu.memory_space<vmem>>, %arg2: memref<16x128x64xf32, #tpu.memory_space<vmem>>, %arg3: memref<1x64xf32, #tpu.memory_space<vmem>>, %arg4: memref<16x64xf32, #tpu.memory_space<vmem>>) attributes {dimension_semantics = [#tpu.dimension_semantics<arbitrary>], iteration_bounds = array<i64: 46>, scalar_prefetch = 0 : i64, scratch_operands = 0 : i64, tpu.core_type = #tpu.core_type<tc>, window_params = [{transform_indices = @transform_0, window_bounds = array<i64: 16, 16, 128>}, {transform_indices = @transform_1, window_bounds = array<i64: 16, 128, 64>}, {pipeline_mode = #tpu.pipeline_mode<synchronous>, transform_indices = @transform_2, window_bounds = array<i64: 1, 64>}, {pipeline_mode = #tpu.pipeline_mode<synchronous>, transform_indices = @transform_3, window_bounds = array<i64: 16, 64>}]} {
    %eq3A = arith.constant 0 : i32
    %eq3A_0 = arith.cmpi eq, %arg0, %eq3A : i32
    %convert_element_type3A = arith.extui %eq3A_0 : i1 to i32
    %cond3A = arith.constant 0 : i32
    %cond3A_1 = arith.cmpi ne, %convert_element_type3A, %cond3A : i32
    scf.if %cond3A_1 {
      %broadcast_in_dim3A = arith.constant 0.000000e+00 : f32
      %broadcast_in_dim3A_21 = vector.broadcast %broadcast_in_dim3A : f32 to vector<16x64xf32>
      %swap3A_22 = arith.constant 0 : index
      %swap3A_23 = arith.constant 0 : index
      %swap3A_24 = vector.load %arg4[%swap3A_22, %swap3A_23] : memref<16x64xf32, #tpu.memory_space<vmem>>, vector<16x64xf32>
      tpu.vector_store %arg4[%swap3A_22, %swap3A_23], %broadcast_in_dim3A_21 {strides = array<i32>} : memref<16x64xf32, #tpu.memory_space<vmem>>, vector<16x64xf32>,
    } else {
    }
    %get3A = arith.constant 0 : index
    %get3A_2 = arith.constant 0 : index
    %get3A_3 = arith.constant 0 : index
    %get3A_4 = vector.load %arg1[%get3A, %get3A_2, %get3A_3] : memref<16x16x128xf32, #tpu.memory_space<vmem>>, vector<16x16x128xf32>
    %get3A_5 = arith.constant 0 : index
    %get3A_6 = arith.constant 0 : index
    %get3A_7 = arith.constant 0 : index
    %get3A_8 = vector.load %arg2[%get3A_5, %get3A_6, %get3A_7] : memref<16x128x64xf32, #tpu.memory_space<vmem>>, vector<16x128x64xf32>
    %dot_general3A = arith.constant dense<0.000000e+00> : vector<16x16x64xf32>
    %dot_general3A_9 = tpu.matmul %get3A_4, %get3A_8, %dot_general3A {dimension_numbers = #tpu.dot_dimension_numbers<[2], [1], [0], [2], [0, 1, 0, 0, 1, 2], [1], [0]>, transpose_lhs_hint = false} : vector<16x16x128xf32>, vector<16x128x64xf32>, vector<16x16x64xf32> -> vector<16x16x64xf32>
    %get3A_10 = arith.constant 0 : index
    %get3A_11 = arith.constant 0 : index
    %get3A_12 = vector.load %arg4[%get3A_10, %get3A_11] : memref<16x64xf32, #tpu.memory_space<vmem>>, vector<16x64xf32>
    %reduce_sum3A = arith.constant dense<0.000000e+00> : vector<16x64xf32>
    %reduce_sum3A_13 = vector.multi_reduction <add>, %dot_general3A_9, %reduce_sum3A [0] : vector<16x16x64xf32> to vector<16x64xf32>
    %add3A = arith.addf %get3A_12, %reduce_sum3A_13 : vector<16x64xf32>
    %swap3A = arith.constant 0 : index
    %swap3A_14 = arith.constant 0 : index
    %swap3A_15 = vector.load %arg4[%swap3A, %swap3A_14] : memref<16x64xf32, #tpu.memory_space<vmem>>, vector<16x64xf32>
    tpu.vector_store %arg4[%swap3A, %swap3A_14], %add3A {strides = array<i32>} : memref<16x64xf32, #tpu.memory_space<vmem>>, vector<16x64xf32>,
    %eq3A_16 = arith.constant 45 : i32
    %eq3A_17 = arith.cmpi eq, %arg0, %eq3A_16 : i32
    %convert_element_type3A_18 = arith.extui %eq3A_17 : i1 to i32
    %cond3A_19 = arith.constant 0 : i32
    %cond3A_20 = arith.cmpi ne, %convert_element_type3A_18, %cond3A_19 : i32
    scf.if %cond3A_20 {
      %get3A_21 = arith.constant 0 : index
      %get3A_22 = arith.constant 0 : index
      %get3A_23 = vector.load %arg4[%get3A_21, %get3A_22] : memref<16x64xf32, #tpu.memory_space<vmem>>, vector<16x64xf32>
      %get3A_24 = arith.constant 0 : index
      %get3A_25 = arith.constant 0 : index
      %get3A_26 = vector.load %arg3[%get3A_24, %get3A_25] : memref<1x64xf32, #tpu.memory_space<vmem>>, vector<1x64xf32>
      %add3A_27 = vector.broadcast %get3A_26 : vector<1x64xf32> to vector<16x64xf32>
      %add3A_28 = arith.addf %get3A_23, %add3A_27 : vector<16x64xf32>
      %reduce_max3A = arith.constant dense<0xFF800000> : vector<16xf32>
      %reduce_max3A_29 = vector.multi_reduction <maximumf>, %add3A_28, %reduce_max3A [1] : vector<16x64xf32> to vector<16xf32>
      %broadcast_in_dim3A = vector.shape_cast %reduce_max3A_29 : vector<16xf32> to vector<16x1xf32>
      %sub3A = vector.broadcast %broadcast_in_dim3A : vector<16x1xf32> to vector<16x64xf32>
      %sub3A_30 = arith.subf %add3A_28, %sub3A : vector<16x64xf32>
      %exp3A = math.exp %sub3A_30 : vector<16x64xf32>
      %reduce_sum3A_31 = arith.constant dense<0.000000e+00> : vector<16xf32>
      %reduce_sum3A_32 = vector.multi_reduction <add>, %exp3A, %reduce_sum3A_31 [1] : vector<16x64xf32> to vector<16xf32>
      %broadcast_in_dim3A_33 = vector.shape_cast %reduce_sum3A_32 : vector<16xf32> to vector<16x1xf32>
      %div3A = vector.broadcast %broadcast_in_dim3A_33 : vector<16x1xf32> to vector<16x64xf32>
      %div3A_34 = arith.divf %exp3A, %div3A : vector<16x64xf32>
      %swap3A_35 = arith.constant 0 : index
      %swap3A_36 = arith.constant 0 : index
      %swap3A_37 = vector.load %arg4[%swap3A_35, %swap3A_36] : memref<16x64xf32, #tpu.memory_space<vmem>>, vector<16x64xf32>
      tpu.vector_store %arg4[%swap3A_35, %swap3A_36], %div3A_34 {strides = array<i32>} : memref<16x64xf32, #tpu.memory_space<vmem>>, vector<16x64xf32>,
    } else {
    }
    return
  }
  func.func @transform_0(%arg0: i32) -> (i32, i32, i32) {
    %c0_i32 = arith.constant 0 : i32
    %c0_i32_0 = arith.constant 0 : i32
    %c0_i32_1 = arith.constant 0 : i32
    return %c0_i32, %arg0, %c0_i32_0 : i32, i32, i32
  }
  func.func @transform_1(%arg0: i32) -> (i32, i32, i32) {
    %c0_i32 = arith.constant 0 : i32
    %c0_i32_0 = arith.constant 0 : i32
    %c0_i32_1 = arith.constant 0 : i32
    return %arg0, %c0_i32, %c0_i32_0 : i32, i32, i32
  }
  func.func @transform_2(%arg0: i32) -> (i32, i32) {
    %c0_i32 = arith.constant 0 : i32
    %c0_i32_0 = arith.constant 0 : i32
    %c0_i32_1 = arith.constant 0 : i32
    return %c0_i32, %c0_i32_0 : i32, i32
  }
  func.func @transform_3(%arg0: i32) -> (i32, i32) {
    %c0_i32 = arith.constant 0 : i32
    %c0_i32_0 = arith.constant 0 : i32
    %c0_i32_1 = arith.constant 0 : i32
    return %c0_i32, %c0_i32_0 : i32, i32
  }
}

</mosaic_0001>

<sc_bundles>
// kernel: kernel.10.cloned.1.call-start
scs
__scs_entry_jumppad:
0x0: {  	(pc) =	sbr.rel $0x88, $3  }
0x1: {  	(tag) =	ssettag $0x0;
	lr =	simm.s32 $0x1  }
0x2: {  	[smem:$0x3F93] =	sst lr;
	_ =	strace $0xD0000000  }
0x3: {  	_ = 	snop  }
0x4: {  	_ = 	snop  }
0x5: {  	_ = 	snop  }
0x6: {  	_ = 	snop  }
0x7: {  	_ = 	snop  }
__scs_overlays_trampoline_lowered:
0x8: {  	[smem:$0x3FA2] =	sst s0  }
0x9: {  	[smem:$0x3FA3] =	sst s1  }
0xa: {  	[smem:$0x3FA4] =	sst s2  }
0xb: {  	[smem:$0x3FA5] =	sst s3  }
0xc: {  	[smem:$0x3FA6] =	sst s4  }
0xd: {  	[smem:$0x3FA7] =	sst s5  }
0xe: {  	[smem:$0x3FA8] =	sst s6  }
0xf: {  	[smem:$0x3FA9] =	sst s7  }
0x10: {  	[smem:$0x3FAA] =	sst s8  }
0x11: {  	[smem:$0x3FAB] =	sst s9;
	s0 =	simm.s32 @!p0 $0x0  }
0x12: {  	s1 =	sld [smem:$0x3F91];
	s0 =	simm.s32 @p0 $0x1  }
0x13: {  	[smem:$0x3FAC] =	sst s0;
	s0 =	simm.s32 @!p1 $0x0  }
0x14: {  	s2 =	sld [smem:$0x3F90];
	s0 =	simm.s32 @p1 $0x1  }
0x15: {  	[smem:$0x3FAD] =	sst s0;
	s0 =	simm.s32 @!p2 $0x0  }
0x16: {  	s3 =	sld [smem:$0x3FDB];
	s0 =	simm.s32 @p2 $0x1  }
0x17: {  	s4 =	simm.s32 $0x1BF5;
	[smem:$0x3FAF] =	sst s0  }
0x18: {  	s0 =	sld [smem:$0x3F92];
	_ =	swait.ge [sflag:s4], $0x0  }
0x19: {  	s7 =	sld [smem:$0x3F93]  }
0x1a: {  	s8 =	sadd.s32 $0xFFFFE003, lr  }
0x1b: {  	s9 =	sadd.s32 $0xFFFFFEF7, lr;
	s5 =	simm.s32 $0xFFFFFFFF;
	p2 =	slt.u32 s8, $0xFFFFF086  }
0x1c: {  	p1 =	slt.u32 s9, $0xF7A;
	s5 =	simm.s32 @!p2 $0x0  }
0x1d: {  	s5 =	simm.s32 @p1 $0x1;
	p0 =	seq.s32 s7, s2  }
0x1e: {  	s7 =	smul.u32 @!p0 $0xF7A, s2;
	p2 =	seq.s32 @!p0 s5, $0x0  }
0x1f: {  	s9 =	smul.u32 $0xF7A, s1;
	s8 =	simm.s32 @!p0 $0x1BF5;
	p2 =	por !p2, p0  }
0x20: {  	[sflag:s8] =	ssyncset.s32 @!p0 $0xFFFFF086;
	s6 =	sadd.s32 @!p0 s3, s7;
	s7 =	simm.s32 @!p0 $0x108  }
0x21: {  	s3 =	sadd.s32 s3, s9;
	s6 =	sadd.s32 @!p0 $0x88, s6;
	s7 =	simm.s32 @p2 $0x1082  }
0x22: {  	[simem:s7], [sflag:s8] =	dma.local @!p0 [hbm:s6], $0xF7A  }
0x23: {  	s9 =	sor.u32 $0xD0000000, s2;
	s6 =	simm.s32 $0x108;
	_ =	swait.ge @!p0 [sflag:s8], $0x0  }
0x24: {  	s3 =	sadd.s32 $0x88, s3;
	s6 =	simm.s32 @!p1 $0x1082;
	[sflag:s4] =	ssyncset.s32 $0xFFFFF086  }
0x25: {  	[simem:s6], [sflag:s4] =	dma.local [hbm:s3], $0xF7A  }
0x26: {  	[smem:$0x3F93] =	sst s1;
	(tag) =	ssettag s2;
	_ =	strace s9  }
0x27: {  	s1 =	sld [smem:$0x3FA3]  }
0x28: {  	s2 =	sld [smem:$0x3FA4]  }
0x29: {  	s4 =	sld [smem:$0x3FA6]  }
0x2a: {  	p0 =	seq.s32 s5, $0x0;
	s5 =	sld [smem:$0x3FA7]  }
0x2b: {  	s6 =	sld [smem:$0x3FA8]  }
0x2c: {  	s7 =	sld [smem:$0x3FA9]  }
0x2d: {  	s3 =	simm.s32 $0x108;
	s8 =	sld [smem:$0x3FAA]  }
0x2e: {  	s3 =	simm.s32 @!p0 $0x1082;
	s9 =	sld [smem:$0x3FAB]  }
0x2f: {  	lr =	sadd.s32 s0, s3;
	s0 =	sld [smem:$0x3FA2]  }
0x30: {  	s3 =	sld [smem:$0x3FA5]  }
0x31: {  	[smem:$0x3FAE] =	sst s10  }
0x32: {  	s10 =	sld [smem:$0x3FAC];
	_ =	sdelay $0x3  }
0x33: {  	p0 =	seq.s32 s10, $0x1;
	s10 =	sld [smem:$0x3FAE];
	_ =	sdelay $0x3  }
0x34: {  	[smem:$0x3FAE] =	sst s10  }
0x35: {  	s10 =	sld [smem:$0x3FAD];
	_ =	sdelay $0x3  }
0x36: {  	p1 =	seq.s32 s10, $0x1;
	s10 =	sld [smem:$0x3FAE];
	_ =	sdelay $0x3  }
0x37: {  	[smem:$0x3FAE] =	sst s10  }
0x38: {  	s10 =	sld [smem:$0x3FAF]  }
0x39: {  	_ = 	snop;
	(pc) =	sbr.ind lr, $3  }
0x3a: {  	_ = 	snop  }
0x3b: {  	_ = 	snop  }
0x3c: {  	p2 =	seq.s32 s10, $0x1;
	s10 =	sld [smem:$0x3FAE]  }
0x3d: {  	_ =	shalt  }
0x3e: {  	_ =	shalt  }
0x3f: {  	_ =	shalt  }
0x40: {  	_ =	shalt  }
0x41: {  	_ =	shalt  }
0x42: {  	_ =	shalt  }
0x43: {  	_ =	shalt  }
0x44: {  	_ =	shalt  }
0x45: {  	_ =	shalt  }
0x46: {  	_ =	shalt  }
0x47: {  	_ =	shalt  }
0x48: {  	_ =	shalt  }
0x49: {  	_ =	shalt  }
0x4a: {  	_ =	shalt  }
0x4b: {  	_ =	shalt  }
0x4c: {  	_ =	shalt  }
0x4d: {  	_ =	shalt  }
0x4e: {  	_ =	shalt  }
0x4f: {  	_ =	shalt  }
0x50: {  	_ =	shalt  }
0x51: {  	_ =	shalt  }
0x52: {  	_ =	shalt  }
0x53: {  	_ =	shalt  }
0x54: {  	_ =	shalt  }
0x55: {  	_ =	shalt  }
0x56: {  	_ =	shalt  }
0x57: {  	_ =	shalt  }
0x58: {  	_ =	shalt  }
0x59: {  	_ =	shalt  }
0x5a: {  	_ =	shalt  }
0x5b: {  	_ =	shalt  }
0x5c: {  	_ =	shalt  }
0x5d: {  	_ =	shalt  }
0x5e: {  	_ =	shalt  }
0x5f: {  	_ =	shalt  }
0x60: {  	_ =	shalt  }
0x61: {  	_ =	shalt  }
0x62: {  	_ =	shalt  }
0x63: {  	_ =	shalt  }
0x64: {  	_ =	shalt  }
0x65: {  	_ =	shalt  }
0x66: {  	_ =	shalt  }
0x67: {  	_ =	shalt  }
0x68: {  	_ =	shalt  }
0x69: {  	_ =	shalt  }
0x6a: {  	_ =	shalt  }
0x6b: {  	_ =	shalt  }
0x6c: {  	_ =	shalt  }
0x6d: {  	_ =	shalt  }
0x6e: {  	_ =	shalt  }
0x6f: {  	_ =	shalt  }
0x70: {  	_ =	shalt  }
0x71: {  	_ =	shalt  }
0x72: {  	_ =	shalt  }
0x73: {  	_ =	shalt  }
0x74: {  	_ =	shalt  }
0x75: {  	_ =	shalt  }
0x76: {  	_ =	shalt  }
0x77: {  	_ =	shalt  }
0x78: {  	_ =	shalt  }
0x79: {  	_ =	shalt  }
0x7a: {  	_ =	shalt  }
0x7b: {  	_ =	shalt  }
0x7c: {  	_ =	shalt  }
0x7d: {  	_ =	shalt  }
0x7e: {  	_ =	shalt  }
0x7f: {  	_ =	shalt  }
0x80: {  	_ =	shalt  }
0x81: {  	_ =	shalt  }
0x82: {  	_ =	shalt  }
0x83: {  	_ =	shalt  }
0x84: {  	_ =	shalt  }
0x85: {  	_ =	shalt  }
0x86: {  	_ =	shalt  }
0x87: {  	_ =	shalt  }
.Lfunc_end0:
.L_simem_size_0:
called_computation.1_lowered:
.L_overlay_start_0:
0x88: {  	s2 =	sld [smem:$0x3FD9]  }
0x89: {  	s3 =	sld [smem:$0x3FFE];
	_ =	sdelay $0x1  }
0x8a: {  	s1 =	srdreg.scid  }
0x8b: {  	s0 =	sand.u32 $0x1, s1  }
0x8c: {  	s16 =	sshll.u32 s0, $0xA;
	s2 =	sadd.s32 s3, s2  }
0x8d: {  	s2 =	sadd.s32 s2, s16  }
0x8e: {  	[smem:$0x3FBA] =	sst s2  }
0x8f: {  	_ = 	snop  }
0x90: {  	(tm) =	ssettm $0x1  }
0x91: {  	s17 =	sld [smem:$0x3FFB];
	_ =	sdelay $0x3  }
0x92: {  	_ =	strace s17  }
0x93: {  	s2 =	sld [smem:$0x3FFC];
	_ =	sdelay $0x3  }
0x94: {  	_ =	strace s2  }
0x95: {  	s2 =	sld [smem:$0x3FFD];
	_ =	sdelay $0x3  }
0x96: {  	_ =	strace s2  }
0x97: {  	_ =	strace $0x8FFFFFFF  }
0x98: {  	s18 =	sld [smem:$0x3FDB];
	_ =	sdelay $0x1  }
0x99: {  	s19 =	simm.s32 $_scs_section_size  }
0x9a: {  	s4 =	simm.s32 $_size__tile_overlayer_lowered;
	s5 =	simm.s32 $_tile_overlayer_lowered  }
0x9b: {  	s22 =	simm.s32 $0x1BFF;
	s21 =	sshll.u32 s5, $0x1;
	s2 =	sadd.s32 s19, s18  }
0x9c: {  	s6 =	simm.s32 $0x0;
	s20 =	sshll.u32 s4, $0x1;
	s4 =	sadd.s32 s21, s2  }
0x9d: {  	[timem:s6], [sflag:s22] =	dma.local [hbm:s4], s20  }
0x9e: {  	_ =	swait.ge [sflag:s22], s20  }
0x9f: {  	s3 =	ssub.s32 $0x0, s20;
	[sflag:s22] =	ssyncset.done $0x0  }
0xa0: {  	[sflag:s22] =	ssyncadd.s32 s3;
	_ =	sdelay $0x1  }
0xa1: {  	s23 =	simm.s32 $0x1B8B  }
0xa2: {  	_ =	swait.ge [sflag:s23], $0x1  }
0xa3: {  	[sflag:s23] =	ssyncset.done $0x0  }
0xa4: {  	s25 =	simm.s32 $0x1B8E;
	s24 =	sld [smem:$0x3FFE];
	[sflag:s23] =	ssyncadd.s32 $0xFFFFFFFF  }
0xa5: {  	s26 =	simm.s32 $execute0_lowered;
	[smem:$0x3FD2] =	sst s25  }
0xa6: {  	s4 =	sshll.u32 s26, $0x1;
	_ =	strace $0x80000049;
	[dreg:$0x1] =	wrdreg $0xFFFFFFFF  }
0xa7: {  	s28 =	simm.s32 $_size_execute0_lowered;
	s2 =	sadd.s32 s2, s4;
	[dreg:$0x0] =	wrdreg $0x0  }
0xa8: {  	s4 =	sshll.u32 s28, $0x1;
	[dreg:$0x2] =	wrdreg s2  }
0xa9: {  	[dreg:$0x3] =	wrdreg s4  }
0xaa: {  	[dreg:$0x4] =	wrdreg $0xC0  }
0xab: {  	_ =	task [dreg:s6], $0x5FFFF  }
0xac: {  	[dreg:$0x1] =	wrdreg $0xFFFFFFFF  }
0xad: {  	[dreg:$0x0] =	wrdreg $0x60  }
0xae: {  	[dreg:$0x2] =	wrdreg s24  }
0xaf: {  	[dreg:$0x3] =	wrdreg $0x0  }
0xb0: {  	[dreg:$0x4] =	wrdreg $0x9  }
0xb1: {  	_ =	task.clear_ibuf [dreg:s6], $0x5FFFF;
	_ =	strace $0x90000049  }
0xb2: {  	s29 =	simm.s32 $0x9;
	_ =	strace $0x8000004B  }
0xb3: {  	_ =	swait.ge [sflag:s29], $0x1  }
0xb4: {  	[sflag:s29] =	ssyncadd.s32 $0xFFFFFFFF  }
0xb5: {  	_ =	strace $0x9000004B  }
0xb6: {  	_ =	sfence  }
0xb7: {  	s30 =	sld [smem:$0x0];
	_ =	sdelay $0x2  }
0xb8: {  	s31 =	sshll.u32 s1, $0xD;
	s1 =	sshrl.u32 s1, $0x2  }
0xb9: {  	s3 =	sand.u32 $0x4000, s31;
	s1 =	sadd.s32 s1, s30  }
0xba: {  	s0 =	sor.u32 s3, s0;
	s1 =	sshll.u32 s1, $0x11  }
0xbb: {  	s0 =	sor.u32 s1, s0  }
0xbc: {  	s0 =	sadd.s32 $0x8F2B, s0  }
0xbd: {  	[sflag:s0] =	ssyncadd.remote.s32 $0x1  }
0xbe: {  	_ =	sfence.sel $0xFFFF  }
0xbf: {  	[dreg:$0x0] =	wrdreg $0xFFFFFFFF;
	(pc) =	sbr.abs _section_cstart, $3  }
0xc0: {  	[dreg:$0x1] =	wrdreg $0xFFFFFFFF  }
0xc1: {  	_ =	task.clear_ibuf [dreg:s6], $0x2FFFF;
	_ =	strace $0x9FFFFFFF  }
0xc2: {  	(tm) =	ssettm $0x7FFFFFFF  }
0xc3: {  	_ =	shalt  }
tec
execute0_lowered:
.L_overlay_start_1:
0x0: {  	(tag) =	ssettag $0x1  }
0x1: {  	s0 =	rddreg [dreg:$0x0]  }
0x2: {  	s1 =	rddreg [dreg:$0x1]  }
0x3: {  	s2 =	srdreg.scid;
	s3 =	simm.s32 $0x0;
	s25 =	stileid.u32  }
0x4: {  	s11 =	simm.s32 $0x7;
	s13 =	simm.s32 $0x1E500;
	s14 =	simm.s32 $0x80  }
0x5: {  	s15 =	simm.s32 $0x1B500;
	s16 =	simm.s32 $0x1CD00;
	s17 =	simm.s32 $0x1BD00  }
0x6: {  	s18 =	simm.s32 $0x1D500;
	s19 =	simm.s32 $0x1C500;
	s20 =	simm.s32 $0x1DD00  }
0x7: {  	s21 =	simm.s32 $0x1;
	s22 =	simm.s32 $0x4;
	s23 =	simm.s32 $0x2  }
0x8: {  	s24 =	simm.s32 $0x5;
	s28 =	simm.s32 $0x6;
	s9 =	smul.u32 $0x17000, s25  }
0x9: {  	s29 =	simm.s32 $0x0;
	s5 =	sand.u32 $0x1, s2;
	s8 =	smul.u32 $0x5C000, s25  }
0xa: {  	[smem:$0x7FF] =	sst s3;
	s4 =	sshll.u32 s25, $0x1;
	s6 =	smul.u32 $0x170000, s5  }
0xb: {  	_ =	strace $0x8000004A;
	s7 =	sor.u32 s5, s4;
	s5 =	ssub.s32 $0x2, s5  }
0xc: {  	s4 =	sadd.s32 $0x3A00, s0;
	s7 =	smul.u32 $0x450, s7;
	s26 =	sshrl.u32 s5, $0x1  }
0xd: {  	s8 =	sshrl.u32 s8, $0x2;
	s31 =	sadd.s32 s9, s1;
	s6 =	sadd.s32 s9, s6  }
0xe: {  	s10 =	ssub.s32 s5, s26;
	s25 =	sshrl.u32 s31, $0x3;
	s26 =	simm.s32 $0x3  }
0xf: {  	s6 =	sshrl.u32 s6, $0x3;
	s7 =	sadd.s32 s7, s0;
	s9 =	smax.u32 s10, $0x1  }
0x10: {  	s0 =	sadd.s32 s6, s0;
	s30 =	sadd.s32 $0x3A400, s7;
	s6 =	sadd.s32 $0x31A00, s7  }
0x11: {  	v0 =	vimm.f32 $0.0e+00;
	s7 =	sadd.s32 s8, s1;
	[dreg:$0x3] =	wrdreg s30;
	s8 =	sadd.s32 $0x42E00, s0  }
.LBB2_1:
0x12: {  	s0 =	simm.s32 $0x0;
	s2 =	rddreg [dreg:$0x3];
	s3 =	simm.s32 $0x17000  }
0x13: {  	[tilespmem:s3], [sflag:$0x7] =	stream.linear.gather [hbm4b:s2+s0], $0x2280, $0x38;
	[tilespmem:$0x1ED00] =	vst v63  }
0x14: {  	_ =	swait.ge [sflag:s11], $0x2280  }
0x15: {  	[sflag:s11] =	ssyncset.done $0x0  }
0x16: {  	s31 =	simm.s32 $0x19280;
	[sflag:s11] =	ssyncadd.s32 $0xFFFFDD80  }
0x17: {  	[tilespmem:s31], [sflag:$0x7] =	stream.linear.gather [hbm4b:s6+s0], $0x2280, $0x38;
	[tilespmem:$0x1ED00] =	vst v63  }
0x18: {  	_ =	swait.ge [sflag:s11], $0x2280  }
0x19: {  	[sflag:s11] =	ssyncset.done $0x0  }
0x1a: {  	s0 =	simm.s32 $0x0;
	[sflag:s11] =	ssyncadd.s32 $0xFFFFDD80  }
.LBB2_2:
0x1b: {  	p0 =	sne.s32 s0, $0x1FC0  }
.Ltmp0:
0x1c: {  	_ = 	snop;
	(pc) =	sbr.rel @p0 .LBB2_2-.Ltmp0, $3  }
0x1d: {  	_ =	sdelay $0x1  }
0x1e: {  	s10 =	sshra.s32 s0, $0x2  }
0x1f: {  	s0 =	sadd.s32 $0x40, s0;
	[tilespmem:s10+$0x1E500] =	vst v0  }
0x20: {  	s0 =	sadd.s32 $0x0, s7  }
0x21: {  	[spmem:s0] =	stream.linear.scatter [tilespmem:s13], [sflag:$0x7], $0x800, $0x38;
	[tilespmem:$0x1ED00] =	vst v63  }
0x22: {  	s0 =	simm.s32 $0x2000;
	_ =	swait.ge [sflag:s11], $0x800  }
.LBB2_4:
0x23: {  	s10 =	sshra.s32 s0, $0x2;
	[sflag:s11] =	ssyncset.done $0x0;
	p0 =	sne.s32 s0, $0x5A000  }
.Ltmp1:
0x24: {  	s10 =	sadd.s32 s10, s7;
	[sflag:s11] =	ssyncadd.s32 $0xFFFFF800;
	(pc) =	sbr.rel @p0 .LBB2_4-.Ltmp1, $3  }
0x25: {  	[spmem:s10] =	stream.linear.scatter [tilespmem:s13], [sflag:$0x7], $0x800, $0x38;
	[tilespmem:$0x1ED00] =	vst v63  }
0x26: {  	s0 =	sadd.s32 $0x2000, s0;
	_ =	sdelay $0x1  }
0x27: {  	_ =	swait.ge [sflag:s11], $0x800  }
0x28: {  	[sflag:s11] =	ssyncset.done $0x0  }
0x29: {  	[sflag:s11] =	ssyncadd.s32 $0xFFFFF800  }
0x2a: {  	s0 =	simm.s32 $0x19280;
	[bflag:$0x0] =	sbarrier.arrive $0xFFFF  }
0x2b: {  	[tilespmem:s15], [sflag:$0x1] =	stream.indirect.gather [hbm4b:s4+s14], $0x10, s0, s14, $0xb8;
	[tilespmem:$0x1ED00] =	vst v63  }
0x2c: {  	s10 =	simm.s32 $0x17000  }
0x2d: {  	[tilespmem:s16], [sflag:$0x4] =	stream.indirect.gather [hbm4b:s4+s14], $0x10, s10, s14, $0xb8;
	[tilespmem:$0x1ED00] =	vst v63  }
0x2e: {  	s12 =	simm.s32 $0x19300  }
0x2f: {  	[tilespmem:s17], [sflag:$0x2] =	stream.indirect.gather [hbm4b:s4+s14], $0x10, s12, s14, $0xb8;
	[tilespmem:$0x1ED00] =	vst v63  }
0x30: {  	s30 =	simm.s32 $0x17080  }
0x31: {  	[tilespmem:s18], [sflag:$0x5] =	stream.indirect.gather [hbm4b:s4+s14], $0x10, s30, s14, $0xb8;
	[tilespmem:$0x1ED00] =	vst v63  }
0x32: {  	s31 =	simm.s32 $0x19380  }
0x33: {  	[tilespmem:s19], [sflag:$0x3] =	stream.indirect.gather [hbm4b:s4+s14], $0x10, s31, s14, $0xb8;
	[tilespmem:$0x1ED00] =	vst v63  }
0x34: {  	s2 =	simm.s32 $0x17100  }
0x35: {  	[tilespmem:s20], [sflag:$0x6] =	stream.indirect.gather [hbm4b:s4+s14], $0x10, s2, s14, $0xb8;
	[tilespmem:$0x1ED00] =	vst v63  }
0x36: {  	_ =	swait.ge [sflag:s21], $0x800  }
0x37: {  	[sflag:s21] =	ssyncset.done $0x0  }
0x38: {  	[sflag:s21] =	ssyncadd.s32 $0xFFFFF800  }
0x39: {  	[spmem:s1] =	stream.indirect.scatter.add.f32 [tilespmem:s15], [sflag:$0x7], $0x10, s10, s14, $0xb8;
	[tilespmem:$0x1ED00] =	vst v63  }
0x3a: {  	_ =	swait.ge [sflag:s11], $0x800  }
0x3b: {  	[sflag:s11] =	ssyncset.done $0x0  }
0x3c: {  	[sflag:s11] =	ssyncadd.s32 $0xFFFFF800  }
0x3d: {  	_ =	swait.ge [sflag:s22], $0x800  }
0x3e: {  	[sflag:s22] =	ssyncset.done $0x0  }
0x3f: {  	[sflag:s22] =	ssyncadd.s32 $0xFFFFF800  }
0x40: {  	[spmem:s1] =	stream.indirect.scatter.add.f32 [tilespmem:s16], [sflag:$0x7], $0x10, s0, s14, $0xb8;
	[tilespmem:$0x1ED00] =	vst v63  }
0x41: {  	_ =	swait.ge [sflag:s11], $0x800  }
0x42: {  	[sflag:s11] =	ssyncset.done $0x0  }
0x43: {  	[sflag:s11] =	ssyncadd.s32 $0xFFFFF800  }
0x44: {  	_ =	swait.ge [sflag:s23], $0x800  }
0x45: {  	[sflag:s23] =	ssyncset.done $0x0  }
0x46: {  	[sflag:s23] =	ssyncadd.s32 $0xFFFFF800  }
0x47: {  	[spmem:s1] =	stream.indirect.scatter.add.f32 [tilespmem:s17], [sflag:$0x7], $0x10, s30, s14, $0xb8;
	[tilespmem:$0x1ED00] =	vst v63  }
0x48: {  	_ =	swait.ge [sflag:s11], $0x800  }
0x49: {  	[sflag:s11] =	ssyncset.done $0x0  }
0x4a: {  	[sflag:s11] =	ssyncadd.s32 $0xFFFFF800  }
0x4b: {  	_ =	swait.ge [sflag:s24], $0x800  }
0x4c: {  	[sflag:s24] =	ssyncset.done $0x0  }
0x4d: {  	[sflag:s24] =	ssyncadd.s32 $0xFFFFF800  }
0x4e: {  	[spmem:s1] =	stream.indirect.scatter.add.f32 [tilespmem:s18], [sflag:$0x7], $0x10, s12, s14, $0xb8;
	[tilespmem:$0x1ED00] =	vst v63  }
0x4f: {  	_ =	swait.ge [sflag:s11], $0x800  }
0x50: {  	[sflag:s11] =	ssyncset.done $0x0  }
0x51: {  	[sflag:s11] =	ssyncadd.s32 $0xFFFFF800  }
0x52: {  	_ =	swait.ge [sflag:s26], $0x800  }
0x53: {  	[sflag:s26] =	ssyncset.done $0x0  }
0x54: {  	[sflag:s26] =	ssyncadd.s32 $0xFFFFF800  }
0x55: {  	[spmem:s1] =	stream.indirect.scatter.add.f32 [tilespmem:s19], [sflag:$0x7], $0x10, s2, s14, $0xb8;
	[tilespmem:$0x1ED00] =	vst v63  }
0x56: {  	_ =	swait.ge [sflag:s11], $0x800  }
0x57: {  	[sflag:s11] =	ssyncset.done $0x0  }
0x58: {  	[sflag:s11] =	ssyncadd.s32 $0xFFFFF800  }
0x59: {  	_ =	swait.ge [sflag:s28], $0x800  }
0x5a: {  	[sflag:s28] =	ssyncset.done $0x0  }
0x5b: {  	[sflag:s28] =	ssyncadd.s32 $0xFFFFF800  }
0x5c: {  	[spmem:s1] =	stream.indirect.scatter.add.f32 [tilespmem:s20], [sflag:$0x7], $0x10, s31, s14, $0xb8;
	[tilespmem:$0x1ED00] =	vst v63  }
0x5d: {  	_ =	swait.ge [sflag:s11], $0x800  }
0x5e: {  	s10 =	simm.s32 $0x180;
	s0 =	simm.s32 $0xC00;
	[sflag:s11] =	ssyncset.done $0x0  }
.LBB2_6:
0x5f: {  	s2 =	sadd.s32 $0x19280, s10  }
0x60: {  	[sflag:s11] =	ssyncadd.s32 $0xFFFFF800;
	s31 =	smov.u32 s0;
	s30 =	sadd.s32 $0x600, s0  }
0x61: {  	[tilespmem:s15], [sflag:$0x1] =	stream.indirect.gather [hbm4b:s4+s14], $0x10, s2, s14, $0xb8;
	[tilespmem:$0x1ED00] =	vst v63  }
0x62: {  	p0 =	sne.s32 s0, $0x8400;
	s3 =	sadd.s32 $0x17000, s10  }
0x63: {  	[tilespmem:s16], [sflag:$0x4] =	stream.indirect.gather [hbm4b:s4+s14], $0x10, s3, s14, $0xb8;
	[tilespmem:$0x1ED00] =	vst v63  }
0x64: {  	s12 =	sadd.s32 $0x19300, s10  }
0x65: {  	[tilespmem:s17], [sflag:$0x2] =	stream.indirect.gather [hbm4b:s4+s14], $0x10, s12, s14, $0xb8;
	[tilespmem:$0x1ED00] =	vst v63  }
0x66: {  	s5 =	sadd.s32 $0x17080, s10  }
0x67: {  	[tilespmem:s18], [sflag:$0x5] =	stream.indirect.gather [hbm4b:s4+s14], $0x10, s5, s14, $0xb8;
	[tilespmem:$0x1ED00] =	vst v63  }
0x68: {  	s0 =	sadd.s32 $0x19380, s10  }
0x69: {  	[tilespmem:s19], [sflag:$0x3] =	stream.indirect.gather [hbm4b:s4+s14], $0x10, s0, s14, $0xb8;
	[tilespmem:$0x1ED00] =	vst v63  }
0x6a: {  	s10 =	sadd.s32 $0x17100, s10  }
0x6b: {  	[tilespmem:s20], [sflag:$0x6] =	stream.indirect.gather [hbm4b:s4+s14], $0x10, s10, s14, $0xb8;
	[tilespmem:$0x1ED00] =	vst v63  }
0x6c: {  	_ =	swait.ge [sflag:s21], $0x800  }
0x6d: {  	[sflag:s21] =	ssyncset.done $0x0  }
0x6e: {  	[sflag:s21] =	ssyncadd.s32 $0xFFFFF800  }
0x6f: {  	[spmem:s1] =	stream.indirect.scatter.add.f32 [tilespmem:s15], [sflag:$0x7], $0x10, s3, s14, $0xb8;
	[tilespmem:$0x1ED00] =	vst v63  }
0x70: {  	_ =	swait.ge [sflag:s11], $0x800  }
0x71: {  	[sflag:s11] =	ssyncset.done $0x0  }
0x72: {  	[sflag:s11] =	ssyncadd.s32 $0xFFFFF800  }
0x73: {  	_ =	swait.ge [sflag:s22], $0x800  }
0x74: {  	[sflag:s22] =	ssyncset.done $0x0  }
0x75: {  	[sflag:s22] =	ssyncadd.s32 $0xFFFFF800  }
0x76: {  	[spmem:s1] =	stream.indirect.scatter.add.f32 [tilespmem:s16], [sflag:$0x7], $0x10, s2, s14, $0xb8;
	[tilespmem:$0x1ED00] =	vst v63  }
0x77: {  	_ =	swait.ge [sflag:s11], $0x800  }
0x78: {  	[sflag:s11] =	ssyncset.done $0x0  }
0x79: {  	[sflag:s11] =	ssyncadd.s32 $0xFFFFF800  }
0x7a: {  	_ =	swait.ge [sflag:s23], $0x800  }
0x7b: {  	[sflag:s23] =	ssyncset.done $0x0  }
0x7c: {  	[sflag:s23] =	ssyncadd.s32 $0xFFFFF800  }
0x7d: {  	[spmem:s1] =	stream.indirect.scatter.add.f32 [tilespmem:s17], [sflag:$0x7], $0x10, s5, s14, $0xb8;
	[tilespmem:$0x1ED00] =	vst v63  }
0x7e: {  	_ =	swait.ge [sflag:s11], $0x800  }
0x7f: {  	[sflag:s11] =	ssyncset.done $0x0  }
0x80: {  	[sflag:s11] =	ssyncadd.s32 $0xFFFFF800  }
0x81: {  	_ =	swait.ge [sflag:s24], $0x800  }
0x82: {  	[sflag:s24] =	ssyncset.done $0x0  }
0x83: {  	[sflag:s24] =	ssyncadd.s32 $0xFFFFF800  }
0x84: {  	[spmem:s1] =	stream.indirect.scatter.add.f32 [tilespmem:s18], [sflag:$0x7], $0x10, s12, s14, $0xb8;
	[tilespmem:$0x1ED00] =	vst v63  }
0x85: {  	_ =	swait.ge [sflag:s11], $0x800  }
0x86: {  	[sflag:s11] =	ssyncset.done $0x0  }
0x87: {  	[sflag:s11] =	ssyncadd.s32 $0xFFFFF800  }
0x88: {  	_ =	swait.ge [sflag:s26], $0x800  }
0x89: {  	[sflag:s26] =	ssyncset.done $0x0  }
0x8a: {  	[sflag:s26] =	ssyncadd.s32 $0xFFFFF800  }
0x8b: {  	[spmem:s1] =	stream.indirect.scatter.add.f32 [tilespmem:s19], [sflag:$0x7], $0x10, s10, s14, $0xb8;
	[tilespmem:$0x1ED00] =	vst v63  }
0x8c: {  	_ =	swait.ge [sflag:s11], $0x800  }
0x8d: {  	[sflag:s11] =	ssyncset.done $0x0  }
0x8e: {  	[sflag:s11] =	ssyncadd.s32 $0xFFFFF800  }
0x8f: {  	_ =	swait.ge [sflag:s28], $0x800  }
.Ltmp2:
0x90: {  	[sflag:s28] =	ssyncset.done $0x0;
	(pc) =	sbr.rel @p0 .LBB2_6-.Ltmp2, $4  }
0x91: {  	[sflag:s28] =	ssyncadd.s32 $0xFFFFF800  }
0x92: {  	[spmem:s1] =	stream.indirect.scatter.add.f32 [tilespmem:s20], [sflag:$0x7], $0x10, s0, s14, $0xb8;
	[tilespmem:$0x1ED00] =	vst v63  }
0x93: {  	_ =	swait.ge [sflag:s11], $0x800  }
0x94: {  	s10 =	sshra.s32 s31, $0x2;
	s0 =	smov.u32 s30;
	[sflag:s11] =	ssyncset.done $0x0  }
0x95: {  	s0 =	sadd.s32 $0x19280, s10;
	[sflag:s11] =	ssyncadd.s32 $0xFFFFF800  }
0x96: {  	[tilespmem:s15], [sflag:$0x1] =	stream.indirect.gather [hbm4b:s4+s14], $0x10, s0, s14, $0xb8;
	[tilespmem:$0x1ED00] =	vst v63  }
0x97: {  	s2 =	sadd.s32 $0x17000, s10  }
0x98: {  	[tilespmem:s16], [sflag:$0x4] =	stream.indirect.gather [hbm4b:s4+s14], $0x10, s2, s14, $0xb8;
	[tilespmem:$0x1ED00] =	vst v63  }
0x99: {  	s3 =	sadd.s32 $0x19300, s10  }
0x9a: {  	[tilespmem:s17], [sflag:$0x2] =	stream.indirect.gather [hbm4b:s4+s14], $0x10, s3, s14, $0xb8;
	[tilespmem:$0x1ED00] =	vst v63  }
0x9b: {  	s5 =	sadd.s32 $0x17080, s10  }
0x9c: {  	[tilespmem:s18], [sflag:$0x5] =	stream.indirect.gather [hbm4b:s4+s14], $0x10, s5, s14, $0xb8;
	[tilespmem:$0x1ED00] =	vst v63  }
0x9d: {  	s12 =	sadd.s32 $0x19380, s10  }
0x9e: {  	[tilespmem:s19], [sflag:$0x3] =	stream.indirect.gather [hbm4b:s4+s14], $0x10, s12, s14, $0xb8;
	[tilespmem:$0x1ED00] =	vst v63  }
0x9f: {  	s30 =	sadd.s32 $0x17100, s10  }
0xa0: {  	[tilespmem:s20], [sflag:$0x6] =	stream.indirect.gather [hbm4b:s4+s14], $0x10, s30, s14, $0xb8;
	[tilespmem:$0x1ED00] =	vst v63  }
0xa1: {  	_ =	swait.ge [sflag:s21], $0x800  }
0xa2: {  	[sflag:s21] =	ssyncset.done $0x0  }
0xa3: {  	[sflag:s21] =	ssyncadd.s32 $0xFFFFF800  }
0xa4: {  	[spmem:s1] =	stream.indirect.scatter.add.f32 [tilespmem:s15], [sflag:$0x7], $0x10, s2, s14, $0xb8;
	[tilespmem:$0x1ED00] =	vst v63  }
0xa5: {  	_ =	swait.ge [sflag:s11], $0x800  }
0xa6: {  	[sflag:s11] =	ssyncset.done $0x0  }
0xa7: {  	[sflag:s11] =	ssyncadd.s32 $0xFFFFF800  }
0xa8: {  	_ =	swait.ge [sflag:s22], $0x800  }
0xa9: {  	[sflag:s22] =	ssyncset.done $0x0  }
0xaa: {  	[sflag:s22] =	ssyncadd.s32 $0xFFFFF800  }
0xab: {  	[spmem:s1] =	stream.indirect.scatter.add.f32 [tilespmem:s16], [sflag:$0x7], $0x10, s0, s14, $0xb8;
	[tilespmem:$0x1ED00] =	vst v63  }
0xac: {  	_ =	swait.ge [sflag:s11], $0x800  }
0xad: {  	[sflag:s11] =	ssyncset.done $0x0  }
0xae: {  	[sflag:s11] =	ssyncadd.s32 $0xFFFFF800  }
0xaf: {  	_ =	swait.ge [sflag:s23], $0x800  }
0xb0: {  	[sflag:s23] =	ssyncset.done $0x0  }
0xb1: {  	[sflag:s23] =	ssyncadd.s32 $0xFFFFF800  }
0xb2: {  	[spmem:s1] =	stream.indirect.scatter.add.f32 [tilespmem:s17], [sflag:$0x7], $0x10, s5, s14, $0xb8;
	[tilespmem:$0x1ED00] =	vst v63  }
0xb3: {  	_ =	swait.ge [sflag:s11], $0x800  }
0xb4: {  	[sflag:s11] =	ssyncset.done $0x0  }
0xb5: {  	[sflag:s11] =	ssyncadd.s32 $0xFFFFF800  }
0xb6: {  	_ =	swait.ge [sflag:s24], $0x800  }
0xb7: {  	[sflag:s24] =	ssyncset.done $0x0  }
0xb8: {  	[sflag:s24] =	ssyncadd.s32 $0xFFFFF800  }
0xb9: {  	[spmem:s1] =	stream.indirect.scatter.add.f32 [tilespmem:s18], [sflag:$0x7], $0x10, s3, s14, $0xb8;
	[tilespmem:$0x1ED00] =	vst v63  }
0xba: {  	_ =	swait.ge [sflag:s11], $0x800  }
0xbb: {  	[sflag:s11] =	ssyncset.done $0x0  }
0xbc: {  	[sflag:s11] =	ssyncadd.s32 $0xFFFFF800  }
0xbd: {  	_ =	swait.ge [sflag:s26], $0x800  }
0xbe: {  	[sflag:s26] =	ssyncset.done $0x0  }
0xbf: {  	[sflag:s26] =	ssyncadd.s32 $0xFFFFF800  }
0xc0: {  	[spmem:s1] =	stream.indirect.scatter.add.f32 [tilespmem:s19], [sflag:$0x7], $0x10, s30, s14, $0xb8;
	[tilespmem:$0x1ED00] =	vst v63  }
0xc1: {  	_ =	swait.ge [sflag:s11], $0x800  }
0xc2: {  	[sflag:s11] =	ssyncset.done $0x0  }
0xc3: {  	[sflag:s11] =	ssyncadd.s32 $0xFFFFF800  }
0xc4: {  	_ =	swait.ge [sflag:s28], $0x800  }
0xc5: {  	[sflag:s28] =	ssyncset.done $0x0  }
0xc6: {  	[sflag:s28] =	ssyncadd.s32 $0xFFFFF800  }
0xc7: {  	[spmem:s1] =	stream.indirect.scatter.add.f32 [tilespmem:s20], [sflag:$0x7], $0x10, s12, s14, $0xb8;
	[tilespmem:$0x1ED00] =	vst v63  }
0xc8: {  	_ =	swait.ge [sflag:s11], $0x800  }
0xc9: {  	s31 =	stileid.u32;
	s29 =	sadd.s32 $0x1, s29;
	[sflag:s11] =	ssyncset.done $0x0  }
0xca: {  	p0 =	sne.s32 s29, s9;
	s0 =	sshll.u32 s31, $0x6;
	[sflag:s11] =	ssyncadd.s32 $0xFFFFF800  }
.Ltmp3:
0xcb: {  	s0 =	sor.u32 $0x1C07, s0;
	[bflag:$0x0] =	sbarrier.arrive $0xFFFF;
	(pc) =	sbr.rel @p0 .LBB2_1-.Ltmp3, $4  }
0xcc: {  	[hbm:s8], [sflag:s0] =	dma.local [spmem:s25], $0x2E00  }
0xcd: {  	_ =	swait.ge [sflag:s11], $0x2E00  }
0xce: {  	[sflag:s11] =	ssyncset.done $0x0  }
0xcf: {  	[sflag:s11] =	ssyncadd.s32 $0xFFFFD200  }
0xd0: {  	_ =	sfence.sel $0x180000  }
0xd1: {  	[bflag:$0x0] =	sbarrier.arrive $0xFFFF  }
0xd2: {  	_ =	strace $0x9000004A  }
0xd3: {  	s0 =	stileid.u32;
	[bflag:$0x2] =	sbarrier.arrive $0xFFFF  }
0xd4: {  	p0 =	sne.s32 s0, $0x0;
	s0 =	rddreg [dreg:$0x2]  }
0xd5: {  	s0 =	sadd.s32 @!p0 $0x100000, s0  }
0xd6: {  	[sflag:s0] =	ssyncadd.tile.s32 @!p0 $0x1;
	_ =	shalt  }
.Lfunc_end2:
_tile_overlayer_lowered:
.L_overlay_start_2:
0xd7: {  	(tag) =	ssettag $0x2  }
0xd8: {  	s0 =	rddreg [dreg:$0x0];
	s2 =	stileid.u32  }
0xd9: {  	s1 =	rddreg [dreg:$0x1];
	p0 =	sne.s32 s2, $0x0  }
0xda: {  	s3 =	rddreg [dreg:$0x2];
	[bflag:$0x3] =	sbarrier.arrive $0xFFFF;
	s2 =	simm.s32 @!p0 $0x1C07  }
0xdb: {  	[timem:s3], [sflag:s2] =	dma.local @!p0 [hbm:s0], s1  }
0xdc: {  	s0 =	simm.s32 @!p0 $0x7  }
0xdd: {  	_ =	swait.ge @!p0 [sflag:s0], s1  }
0xde: {  	s1 =	ssub.s32 @!p0 $0x0, s1;
	[sflag:s0] =	ssyncset.done @!p0 $0x0  }
0xdf: {  	[sflag:s0] =	ssyncadd.s32 @!p0 s1  }
0xe0: {  	[bflag:$0x3] =	sbarrier.arrive $0xFFFF  }
0xe1: {  	_ =	shalt  }

// kernel: kernel.7.cloned.1.call-start
scs
__scs_entry_jumppad:
0x0: {  	(pc) =	sbr.rel $0x88, $3  }
0x1: {  	(tag) =	ssettag $0x0;
	lr =	simm.s32 $0x1  }
0x2: {  	[smem:$0x3F93] =	sst lr;
	_ =	strace $0xD0000000  }
0x3: {  	_ = 	snop  }
0x4: {  	_ = 	snop  }
0x5: {  	_ = 	snop  }
0x6: {  	_ = 	snop  }
0x7: {  	_ = 	snop  }
__scs_overlays_trampoline_lowered:
0x8: {  	[smem:$0x3FA2] =	sst s0  }
0x9: {  	[smem:$0x3FA3] =	sst s1  }
0xa: {  	[smem:$0x3FA4] =	sst s2  }
0xb: {  	[smem:$0x3FA5] =	sst s3  }
0xc: {  	[smem:$0x3FA6] =	sst s4  }
0xd: {  	[smem:$0x3FA7] =	sst s5  }
0xe: {  	[smem:$0x3FA8] =	sst s6  }
0xf: {  	[smem:$0x3FA9] =	sst s7  }
0x10: {  	[smem:$0x3FAA] =	sst s8  }
0x11: {  	[smem:$0x3FAB] =	sst s9;
	s0 =	simm.s32 @!p0 $0x0  }
0x12: {  	s1 =	sld [smem:$0x3F91];
	s0 =	simm.s32 @p0 $0x1  }
0x13: {  	[smem:$0x3FAC] =	sst s0;
	s0 =	simm.s32 @!p1 $0x0  }
0x14: {  	s2 =	sld [smem:$0x3F90];
	s0 =	simm.s32 @p1 $0x1  }
0x15: {  	[smem:$0x3FAD] =	sst s0;
	s0 =	simm.s32 @!p2 $0x0  }
0x16: {  	s3 =	sld [smem:$0x3FDB];
	s0 =	simm.s32 @p2 $0x1  }
0x17: {  	s4 =	simm.s32 $0x1BF5;
	[smem:$0x3FAF] =	sst s0  }
0x18: {  	s0 =	sld [smem:$0x3F92];
	_ =	swait.ge [sflag:s4], $0x0  }
0x19: {  	s7 =	sld [smem:$0x3F93]  }
0x1a: {  	s8 =	sadd.s32 $0xFFFFE003, lr  }
0x1b: {  	s9 =	sadd.s32 $0xFFFFFEF7, lr;
	s5 =	simm.s32 $0xFFFFFFFF;
	p2 =	slt.u32 s8, $0xFFFFF086  }
0x1c: {  	p1 =	slt.u32 s9, $0xF7A;
	s5 =	simm.s32 @!p2 $0x0  }
0x1d: {  	s5 =	simm.s32 @p1 $0x1;
	p0 =	seq.s32 s7, s2  }
0x1e: {  	s7 =	smul.u32 @!p0 $0xF7A, s2;
	p2 =	seq.s32 @!p0 s5, $0x0  }
0x1f: {  	s9 =	smul.u32 $0xF7A, s1;
	s8 =	simm.s32 @!p0 $0x1BF5;
	p2 =	por !p2, p0  }
0x20: {  	[sflag:s8] =	ssyncset.s32 @!p0 $0xFFFFF086;
	s6 =	sadd.s32 @!p0 s3, s7;
	s7 =	simm.s32 @!p0 $0x108  }
0x21: {  	s3 =	sadd.s32 s3, s9;
	s6 =	sadd.s32 @!p0 $0x88, s6;
	s7 =	simm.s32 @p2 $0x1082  }
0x22: {  	[simem:s7], [sflag:s8] =	dma.local @!p0 [hbm:s6], $0xF7A  }
0x23: {  	s9 =	sor.u32 $0xD0000000, s2;
	s6 =	simm.s32 $0x108;
	_ =	swait.ge @!p0 [sflag:s8], $0x0  }
0x24: {  	s3 =	sadd.s32 $0x88, s3;
	s6 =	simm.s32 @!p1 $0x1082;
	[sflag:s4] =	ssyncset.s32 $0xFFFFF086  }
0x25: {  	[simem:s6], [sflag:s4] =	dma.local [hbm:s3], $0xF7A  }
0x26: {  	[smem:$0x3F93] =	sst s1;
	(tag) =	ssettag s2;
	_ =	strace s9  }
0x27: {  	s1 =	sld [smem:$0x3FA3]  }
0x28: {  	s2 =	sld [smem:$0x3FA4]  }
0x29: {  	s4 =	sld [smem:$0x3FA6]  }
0x2a: {  	p0 =	seq.s32 s5, $0x0;
	s5 =	sld [smem:$0x3FA7]  }
0x2b: {  	s6 =	sld [smem:$0x3FA8]  }
0x2c: {  	s7 =	sld [smem:$0x3FA9]  }
0x2d: {  	s3 =	simm.s32 $0x108;
	s8 =	sld [smem:$0x3FAA]  }
0x2e: {  	s3 =	simm.s32 @!p0 $0x1082;
	s9 =	sld [smem:$0x3FAB]  }
0x2f: {  	lr =	sadd.s32 s0, s3;
	s0 =	sld [smem:$0x3FA2]  }
0x30: {  	s3 =	sld [smem:$0x3FA5]  }
0x31: {  	[smem:$0x3FAE] =	sst s10  }
0x32: {  	s10 =	sld [smem:$0x3FAC];
	_ =	sdelay $0x3  }
0x33: {  	p0 =	seq.s32 s10, $0x1;
	s10 =	sld [smem:$0x3FAE];
	_ =	sdelay $0x3  }
0x34: {  	[smem:$0x3FAE] =	sst s10  }
0x35: {  	s10 =	sld [smem:$0x3FAD];
	_ =	sdelay $0x3  }
0x36: {  	p1 =	seq.s32 s10, $0x1;
	s10 =	sld [smem:$0x3FAE];
	_ =	sdelay $0x3  }
0x37: {  	[smem:$0x3FAE] =	sst s10  }
0x38: {  	s10 =	sld [smem:$0x3FAF]  }
0x39: {  	_ = 	snop;
	(pc) =	sbr.ind lr, $3  }
0x3a: {  	_ = 	snop  }
0x3b: {  	_ = 	snop  }
0x3c: {  	p2 =	seq.s32 s10, $0x1;
	s10 =	sld [smem:$0x3FAE]  }
0x3d: {  	_ =	shalt  }
0x3e: {  	_ =	shalt  }
0x3f: {  	_ =	shalt  }
0x40: {  	_ =	shalt  }
0x41: {  	_ =	shalt  }
0x42: {  	_ =	shalt  }
0x43: {  	_ =	shalt  }
0x44: {  	_ =	shalt  }
0x45: {  	_ =	shalt  }
0x46: {  	_ =	shalt  }
0x47: {  	_ =	shalt  }
0x48: {  	_ =	shalt  }
0x49: {  	_ =	shalt  }
0x4a: {  	_ =	shalt  }
0x4b: {  	_ =	shalt  }
0x4c: {  	_ =	shalt  }
0x4d: {  	_ =	shalt  }
0x4e: {  	_ =	shalt  }
0x4f: {  	_ =	shalt  }
0x50: {  	_ =	shalt  }
0x51: {  	_ =	shalt  }
0x52: {  	_ =	shalt  }
0x53: {  	_ =	shalt  }
0x54: {  	_ =	shalt  }
0x55: {  	_ =	shalt  }
0x56: {  	_ =	shalt  }
0x57: {  	_ =	shalt  }
0x58: {  	_ =	shalt  }
0x59: {  	_ =	shalt  }
0x5a: {  	_ =	shalt  }
0x5b: {  	_ =	shalt  }
0x5c: {  	_ =	shalt  }
0x5d: {  	_ =	shalt  }
0x5e: {  	_ =	shalt  }
0x5f: {  	_ =	shalt  }
0x60: {  	_ =	shalt  }
0x61: {  	_ =	shalt  }
0x62: {  	_ =	shalt  }
0x63: {  	_ =	shalt  }
0x64: {  	_ =	shalt  }
0x65: {  	_ =	shalt  }
0x66: {  	_ =	shalt  }
0x67: {  	_ =	shalt  }
0x68: {  	_ =	shalt  }
0x69: {  	_ =	shalt  }
0x6a: {  	_ =	shalt  }
0x6b: {  	_ =	shalt  }
0x6c: {  	_ =	shalt  }
0x6d: {  	_ =	shalt  }
0x6e: {  	_ =	shalt  }
0x6f: {  	_ =	shalt  }
0x70: {  	_ =	shalt  }
0x71: {  	_ =	shalt  }
0x72: {  	_ =	shalt  }
0x73: {  	_ =	shalt  }
0x74: {  	_ =	shalt  }
0x75: {  	_ =	shalt  }
0x76: {  	_ =	shalt  }
0x77: {  	_ =	shalt  }
0x78: {  	_ =	shalt  }
0x79: {  	_ =	shalt  }
0x7a: {  	_ =	shalt  }
0x7b: {  	_ =	shalt  }
0x7c: {  	_ =	shalt  }
0x7d: {  	_ =	shalt  }
0x7e: {  	_ =	shalt  }
0x7f: {  	_ =	shalt  }
0x80: {  	_ =	shalt  }
0x81: {  	_ =	shalt  }
0x82: {  	_ =	shalt  }
0x83: {  	_ =	shalt  }
0x84: {  	_ =	shalt  }
0x85: {  	_ =	shalt  }
0x86: {  	_ =	shalt  }
0x87: {  	_ =	shalt  }
.Lfunc_end0:
.L_simem_size_0:
called_computation_lowered:
.L_overlay_start_0:
0x88: {  	s2 =	sld [smem:$0x3FD9]  }
0x89: {  	s3 =	sld [smem:$0x3FFE];
	_ =	sdelay $0x1  }
0x8a: {  	s1 =	srdreg.scid  }
0x8b: {  	s0 =	sand.u32 $0x1, s1  }
0x8c: {  	s16 =	sshll.u32 s0, $0xA;
	s2 =	sadd.s32 s3, s2  }
0x8d: {  	s2 =	sadd.s32 s2, s16  }
0x8e: {  	[smem:$0x3FBA] =	sst s2  }
0x8f: {  	_ = 	snop  }
0x90: {  	(tm) =	ssettm $0x1  }
0x91: {  	s17 =	sld [smem:$0x3FFB];
	_ =	sdelay $0x3  }
0x92: {  	_ =	strace s17  }
0x93: {  	s2 =	sld [smem:$0x3FFC];
	_ =	sdelay $0x3  }
0x94: {  	_ =	strace s2  }
0x95: {  	s2 =	sld [smem:$0x3FFD];
	_ =	sdelay $0x3  }
0x96: {  	_ =	strace s2  }
0x97: {  	_ =	strace $0x8FFFFFFF  }
0x98: {  	s18 =	sld [smem:$0x3FDB];
	_ =	sdelay $0x1  }
0x99: {  	s19 =	simm.s32 $_scs_section_size  }
0x9a: {  	s4 =	simm.s32 $_size__tile_overlayer_lowered;
	s5 =	simm.s32 $_tile_overlayer_lowered  }
0x9b: {  	s22 =	simm.s32 $0x1BFF;
	s21 =	sshll.u32 s5, $0x1;
	s2 =	sadd.s32 s19, s18  }
0x9c: {  	s6 =	simm.s32 $0x0;
	s20 =	sshll.u32 s4, $0x1;
	s4 =	sadd.s32 s21, s2  }
0x9d: {  	[timem:s6], [sflag:s22] =	dma.local [hbm:s4], s20  }
0x9e: {  	_ =	swait.ge [sflag:s22], s20  }
0x9f: {  	s3 =	ssub.s32 $0x0, s20;
	[sflag:s22] =	ssyncset.done $0x0  }
0xa0: {  	[sflag:s22] =	ssyncadd.s32 s3;
	_ =	sdelay $0x1  }
0xa1: {  	s23 =	simm.s32 $0x1B8B  }
0xa2: {  	_ =	swait.ge [sflag:s23], $0x1  }
0xa3: {  	[sflag:s23] =	ssyncset.done $0x0  }
0xa4: {  	s25 =	simm.s32 $0x1B8E;
	s24 =	sld [smem:$0x3FFE];
	[sflag:s23] =	ssyncadd.s32 $0xFFFFFFFF  }
0xa5: {  	s26 =	simm.s32 $execute0_lowered;
	[smem:$0x3FD2] =	sst s25  }
0xa6: {  	s4 =	sshll.u32 s26, $0x1;
	_ =	strace $0x80000046;
	[dreg:$0x1] =	wrdreg $0xFFFFFFFF  }
0xa7: {  	s28 =	simm.s32 $_size_execute0_lowered;
	s2 =	sadd.s32 s2, s4;
	[dreg:$0x0] =	wrdreg $0x0  }
0xa8: {  	s4 =	sshll.u32 s28, $0x1;
	[dreg:$0x2] =	wrdreg s2  }
0xa9: {  	[dreg:$0x3] =	wrdreg s4  }
0xaa: {  	[dreg:$0x4] =	wrdreg $0xC0  }
0xab: {  	_ =	task [dreg:s6], $0x5FFFF  }
0xac: {  	[dreg:$0x1] =	wrdreg $0xFFFFFFFF  }
0xad: {  	[dreg:$0x0] =	wrdreg $0x60  }
0xae: {  	[dreg:$0x2] =	wrdreg s24  }
0xaf: {  	[dreg:$0x3] =	wrdreg $0x0  }
0xb0: {  	[dreg:$0x4] =	wrdreg $0x9  }
0xb1: {  	_ =	task.clear_ibuf [dreg:s6], $0x5FFFF;
	_ =	strace $0x90000046  }
0xb2: {  	s29 =	simm.s32 $0x9;
	_ =	strace $0x80000048  }
0xb3: {  	_ =	swait.ge [sflag:s29], $0x1  }
0xb4: {  	[sflag:s29] =	ssyncadd.s32 $0xFFFFFFFF  }
0xb5: {  	_ =	strace $0x90000048  }
0xb6: {  	_ =	sfence  }
0xb7: {  	s30 =	sld [smem:$0x0];
	_ =	sdelay $0x2  }
0xb8: {  	s31 =	sshll.u32 s1, $0xD;
	s1 =	sshrl.u32 s1, $0x2  }
0xb9: {  	s3 =	sand.u32 $0x4000, s31;
	s1 =	sadd.s32 s1, s30  }
0xba: {  	s0 =	sor.u32 s3, s0;
	s1 =	sshll.u32 s1, $0x11  }
0xbb: {  	s0 =	sor.u32 s1, s0  }
0xbc: {  	s0 =	sadd.s32 $0x8F2B, s0  }
0xbd: {  	[sflag:s0] =	ssyncadd.remote.s32 $0x1  }
0xbe: {  	_ =	sfence.sel $0xFFFF  }
0xbf: {  	[dreg:$0x0] =	wrdreg $0xFFFFFFFF;
	(pc) =	sbr.abs _section_cstart, $3  }
0xc0: {  	[dreg:$0x1] =	wrdreg $0xFFFFFFFF  }
0xc1: {  	_ =	task.clear_ibuf [dreg:s6], $0x2FFFF;
	_ =	strace $0x9FFFFFFF  }
0xc2: {  	(tm) =	ssettm $0x7FFFFFFF  }
0xc3: {  	_ =	shalt  }
tec
execute0_lowered:
.L_overlay_start_1:
0x0: {  	(tag) =	ssettag $0x1  }
0x1: {  	s0 =	rddreg [dreg:$0x0]  }
0x2: {  	s1 =	rddreg [dreg:$0x1]  }
0x3: {  	s2 =	srdreg.scid;
	s3 =	simm.s32 $0x0;
	s25 =	stileid.u32  }
0x4: {  	s11 =	simm.s32 $0x7;
	s13 =	simm.s32 $0x1E500;
	s14 =	simm.s32 $0x80  }
0x5: {  	s15 =	simm.s32 $0x1B500;
	s16 =	simm.s32 $0x1CD00;
	s17 =	simm.s32 $0x1BD00  }
0x6: {  	s18 =	simm.s32 $0x1D500;
	s19 =	simm.s32 $0x1C500;
	s20 =	simm.s32 $0x1DD00  }
0x7: {  	s21 =	simm.s32 $0x1;
	s22 =	simm.s32 $0x4;
	s23 =	simm.s32 $0x2  }
0x8: {  	s24 =	simm.s32 $0x5;
	s28 =	simm.s32 $0x6;
	s9 =	smul.u32 $0x17000, s25  }
0x9: {  	s29 =	simm.s32 $0x0;
	s5 =	sand.u32 $0x1, s2;
	s8 =	smul.u32 $0x5C000, s25  }
0xa: {  	[smem:$0x7FF] =	sst s3;
	s4 =	sshll.u32 s25, $0x1;
	s6 =	smul.u32 $0x170000, s5  }
0xb: {  	_ =	strace $0x80000047;
	s7 =	sor.u32 s5, s4;
	s5 =	ssub.s32 $0x2, s5  }
0xc: {  	s4 =	sadd.s32 $0x3A00, s0;
	s7 =	smul.u32 $0x450, s7;
	s26 =	sshrl.u32 s5, $0x1  }
0xd: {  	s8 =	sshrl.u32 s8, $0x2;
	s31 =	sadd.s32 s9, s1;
	s6 =	sadd.s32 s9, s6  }
0xe: {  	s10 =	ssub.s32 s5, s26;
	s25 =	sshrl.u32 s31, $0x3;
	s26 =	simm.s32 $0x3  }
0xf: {  	s6 =	sshrl.u32 s6, $0x3;
	s7 =	sadd.s32 s7, s0;
	s9 =	smax.u32 s10, $0x1  }
0x10: {  	s0 =	sadd.s32 s6, s0;
	s30 =	sadd.s32 $0x3A400, s7;
	s6 =	sadd.s32 $0x31A00, s7  }
0x11: {  	v0 =	vimm.f32 $0.0e+00;
	s7 =	sadd.s32 s8, s1;
	[dreg:$0x3] =	wrdreg s30;
	s8 =	sadd.s32 $0x42E00, s0  }
.LBB2_1:
0x12: {  	s0 =	simm.s32 $0x0;
	s2 =	rddreg [dreg:$0x3];
	s3 =	simm.s32 $0x17000  }
0x13: {  	[tilespmem:s3], [sflag:$0x7] =	stream.linear.gather [hbm4b:s2+s0], $0x2280, $0x38;
	[tilespmem:$0x1ED00] =	vst v63  }
0x14: {  	_ =	swait.ge [sflag:s11], $0x2280  }
0x15: {  	[sflag:s11] =	ssyncset.done $0x0  }
0x16: {  	s31 =	simm.s32 $0x19280;
	[sflag:s11] =	ssyncadd.s32 $0xFFFFDD80  }
0x17: {  	[tilespmem:s31], [sflag:$0x7] =	stream.linear.gather [hbm4b:s6+s0], $0x2280, $0x38;
	[tilespmem:$0x1ED00] =	vst v63  }
0x18: {  	_ =	swait.ge [sflag:s11], $0x2280  }
0x19: {  	[sflag:s11] =	ssyncset.done $0x0  }
0x1a: {  	s0 =	simm.s32 $0x0;
	[sflag:s11] =	ssyncadd.s32 $0xFFFFDD80  }
.LBB2_2:
0x1b: {  	p0 =	sne.s32 s0, $0x1FC0  }
.Ltmp0:
0x1c: {  	_ = 	snop;
	(pc) =	sbr.rel @p0 .LBB2_2-.Ltmp0, $3  }
0x1d: {  	_ =	sdelay $0x1  }
0x1e: {  	s10 =	sshra.s32 s0, $0x2  }
0x1f: {  	s0 =	sadd.s32 $0x40, s0;
	[tilespmem:s10+$0x1E500] =	vst v0  }
0x20: {  	s0 =	sadd.s32 $0x0, s7  }
0x21: {  	[spmem:s0] =	stream.linear.scatter [tilespmem:s13], [sflag:$0x7], $0x800, $0x38;
	[tilespmem:$0x1ED00] =	vst v63  }
0x22: {  	s0 =	simm.s32 $0x2000;
	_ =	swait.ge [sflag:s11], $0x800  }
.LBB2_4:
0x23: {  	s10 =	sshra.s32 s0, $0x2;
	[sflag:s11] =	ssyncset.done $0x0;
	p0 =	sne.s32 s0, $0x5A000  }
.Ltmp1:
0x24: {  	s10 =	sadd.s32 s10, s7;
	[sflag:s11] =	ssyncadd.s32 $0xFFFFF800;
	(pc) =	sbr.rel @p0 .LBB2_4-.Ltmp1, $3  }
0x25: {  	[spmem:s10] =	stream.linear.scatter [tilespmem:s13], [sflag:$0x7], $0x800, $0x38;
	[tilespmem:$0x1ED00] =	vst v63  }
0x26: {  	s0 =	sadd.s32 $0x2000, s0;
	_ =	sdelay $0x1  }
0x27: {  	_ =	swait.ge [sflag:s11], $0x800  }
0x28: {  	[sflag:s11] =	ssyncset.done $0x0  }
0x29: {  	[sflag:s11] =	ssyncadd.s32 $0xFFFFF800  }
0x2a: {  	s0 =	simm.s32 $0x19280;
	[bflag:$0x0] =	sbarrier.arrive $0xFFFF  }
0x2b: {  	[tilespmem:s15], [sflag:$0x1] =	stream.indirect.gather [hbm4b:s4+s14], $0x10, s0, s14, $0xb8;
	[tilespmem:$0x1ED00] =	vst v63  }
0x2c: {  	s10 =	simm.s32 $0x17000  }
0x2d: {  	[tilespmem:s16], [sflag:$0x4] =	stream.indirect.gather [hbm4b:s4+s14], $0x10, s10, s14, $0xb8;
	[tilespmem:$0x1ED00] =	vst v63  }
0x2e: {  	s12 =	simm.s32 $0x19300  }
0x2f: {  	[tilespmem:s17], [sflag:$0x2] =	stream.indirect.gather [hbm4b:s4+s14], $0x10, s12, s14, $0xb8;
	[tilespmem:$0x1ED00] =	vst v63  }
0x30: {  	s30 =	simm.s32 $0x17080  }
0x31: {  	[tilespmem:s18], [sflag:$0x5] =	stream.indirect.gather [hbm4b:s4+s14], $0x10, s30, s14, $0xb8;
	[tilespmem:$0x1ED00] =	vst v63  }
0x32: {  	s31 =	simm.s32 $0x19380  }
0x33: {  	[tilespmem:s19], [sflag:$0x3] =	stream.indirect.gather [hbm4b:s4+s14], $0x10, s31, s14, $0xb8;
	[tilespmem:$0x1ED00] =	vst v63  }
0x34: {  	s2 =	simm.s32 $0x17100  }
0x35: {  	[tilespmem:s20], [sflag:$0x6] =	stream.indirect.gather [hbm4b:s4+s14], $0x10, s2, s14, $0xb8;
	[tilespmem:$0x1ED00] =	vst v63  }
0x36: {  	_ =	swait.ge [sflag:s21], $0x800  }
0x37: {  	[sflag:s21] =	ssyncset.done $0x0  }
0x38: {  	[sflag:s21] =	ssyncadd.s32 $0xFFFFF800  }
0x39: {  	[spmem:s1] =	stream.indirect.scatter.add.f32 [tilespmem:s15], [sflag:$0x7], $0x10, s10, s14, $0xb8;
	[tilespmem:$0x1ED00] =	vst v63  }
0x3a: {  	_ =	swait.ge [sflag:s11], $0x800  }
0x3b: {  	[sflag:s11] =	ssyncset.done $0x0  }
0x3c: {  	[sflag:s11] =	ssyncadd.s32 $0xFFFFF800  }
0x3d: {  	_ =	swait.ge [sflag:s22], $0x800  }
0x3e: {  	[sflag:s22] =	ssyncset.done $0x0  }
0x3f: {  	[sflag:s22] =	ssyncadd.s32 $0xFFFFF800  }
0x40: {  	[spmem:s1] =	stream.indirect.scatter.add.f32 [tilespmem:s16], [sflag:$0x7], $0x10, s0, s14, $0xb8;
	[tilespmem:$0x1ED00] =	vst v63  }
0x41: {  	_ =	swait.ge [sflag:s11], $0x800  }
0x42: {  	[sflag:s11] =	ssyncset.done $0x0  }
0x43: {  	[sflag:s11] =	ssyncadd.s32 $0xFFFFF800  }
0x44: {  	_ =	swait.ge [sflag:s23], $0x800  }
0x45: {  	[sflag:s23] =	ssyncset.done $0x0  }
0x46: {  	[sflag:s23] =	ssyncadd.s32 $0xFFFFF800  }
0x47: {  	[spmem:s1] =	stream.indirect.scatter.add.f32 [tilespmem:s17], [sflag:$0x7], $0x10, s30, s14, $0xb8;
	[tilespmem:$0x1ED00] =	vst v63  }
0x48: {  	_ =	swait.ge [sflag:s11], $0x800  }
0x49: {  	[sflag:s11] =	ssyncset.done $0x0  }
0x4a: {  	[sflag:s11] =	ssyncadd.s32 $0xFFFFF800  }
0x4b: {  	_ =	swait.ge [sflag:s24], $0x800  }
0x4c: {  	[sflag:s24] =	ssyncset.done $0x0  }
0x4d: {  	[sflag:s24] =	ssyncadd.s32 $0xFFFFF800  }
0x4e: {  	[spmem:s1] =	stream.indirect.scatter.add.f32 [tilespmem:s18], [sflag:$0x7], $0x10, s12, s14, $0xb8;
	[tilespmem:$0x1ED00] =	vst v63  }
0x4f: {  	_ =	swait.ge [sflag:s11], $0x800  }
0x50: {  	[sflag:s11] =	ssyncset.done $0x0  }
0x51: {  	[sflag:s11] =	ssyncadd.s32 $0xFFFFF800  }
0x52: {  	_ =	swait.ge [sflag:s26], $0x800  }
0x53: {  	[sflag:s26] =	ssyncset.done $0x0  }
0x54: {  	[sflag:s26] =	ssyncadd.s32 $0xFFFFF800  }
0x55: {  	[spmem:s1] =	stream.indirect.scatter.add.f32 [tilespmem:s19], [sflag:$0x7], $0x10, s2, s14, $0xb8;
	[tilespmem:$0x1ED00] =	vst v63  }
0x56: {  	_ =	swait.ge [sflag:s11], $0x800  }
0x57: {  	[sflag:s11] =	ssyncset.done $0x0  }
0x58: {  	[sflag:s11] =	ssyncadd.s32 $0xFFFFF800  }
0x59: {  	_ =	swait.ge [sflag:s28], $0x800  }
0x5a: {  	[sflag:s28] =	ssyncset.done $0x0  }
0x5b: {  	[sflag:s28] =	ssyncadd.s32 $0xFFFFF800  }
0x5c: {  	[spmem:s1] =	stream.indirect.scatter.add.f32 [tilespmem:s20], [sflag:$0x7], $0x10, s31, s14, $0xb8;
	[tilespmem:$0x1ED00] =	vst v63  }
0x5d: {  	_ =	swait.ge [sflag:s11], $0x800  }
0x5e: {  	s10 =	simm.s32 $0x180;
	s0 =	simm.s32 $0xC00;
	[sflag:s11] =	ssyncset.done $0x0  }
.LBB2_6:
0x5f: {  	s2 =	sadd.s32 $0x19280, s10  }
0x60: {  	[sflag:s11] =	ssyncadd.s32 $0xFFFFF800;
	s31 =	smov.u32 s0;
	s30 =	sadd.s32 $0x600, s0  }
0x61: {  	[tilespmem:s15], [sflag:$0x1] =	stream.indirect.gather [hbm4b:s4+s14], $0x10, s2, s14, $0xb8;
	[tilespmem:$0x1ED00] =	vst v63  }
0x62: {  	p0 =	sne.s32 s0, $0x8400;
	s3 =	sadd.s32 $0x17000, s10  }
0x63: {  	[tilespmem:s16], [sflag:$0x4] =	stream.indirect.gather [hbm4b:s4+s14], $0x10, s3, s14, $0xb8;
	[tilespmem:$0x1ED00] =	vst v63  }
0x64: {  	s12 =	sadd.s32 $0x19300, s10  }
0x65: {  	[tilespmem:s17], [sflag:$0x2] =	stream.indirect.gather [hbm4b:s4+s14], $0x10, s12, s14, $0xb8;
	[tilespmem:$0x1ED00] =	vst v63  }
0x66: {  	s5 =	sadd.s32 $0x17080, s10  }
0x67: {  	[tilespmem:s18], [sflag:$0x5] =	stream.indirect.gather [hbm4b:s4+s14], $0x10, s5, s14, $0xb8;
	[tilespmem:$0x1ED00] =	vst v63  }
0x68: {  	s0 =	sadd.s32 $0x19380, s10  }
0x69: {  	[tilespmem:s19], [sflag:$0x3] =	stream.indirect.gather [hbm4b:s4+s14], $0x10, s0, s14, $0xb8;
	[tilespmem:$0x1ED00] =	vst v63  }
0x6a: {  	s10 =	sadd.s32 $0x17100, s10  }
0x6b: {  	[tilespmem:s20], [sflag:$0x6] =	stream.indirect.gather [hbm4b:s4+s14], $0x10, s10, s14, $0xb8;
	[tilespmem:$0x1ED00] =	vst v63  }
0x6c: {  	_ =	swait.ge [sflag:s21], $0x800  }
0x6d: {  	[sflag:s21] =	ssyncset.done $0x0  }
0x6e: {  	[sflag:s21] =	ssyncadd.s32 $0xFFFFF800  }
0x6f: {  	[spmem:s1] =	stream.indirect.scatter.add.f32 [tilespmem:s15], [sflag:$0x7], $0x10, s3, s14, $0xb8;
	[tilespmem:$0x1ED00] =	vst v63  }
0x70: {  	_ =	swait.ge [sflag:s11], $0x800  }
0x71: {  	[sflag:s11] =	ssyncset.done $0x0  }
0x72: {  	[sflag:s11] =	ssyncadd.s32 $0xFFFFF800  }
0x73: {  	_ =	swait.ge [sflag:s22], $0x800  }
0x74: {  	[sflag:s22] =	ssyncset.done $0x0  }
0x75: {  	[sflag:s22] =	ssyncadd.s32 $0xFFFFF800  }
0x76: {  	[spmem:s1] =	stream.indirect.scatter.add.f32 [tilespmem:s16], [sflag:$0x7], $0x10, s2, s14, $0xb8;
	[tilespmem:$0x1ED00] =	vst v63  }
0x77: {  	_ =	swait.ge [sflag:s11], $0x800  }
0x78: {  	[sflag:s11] =	ssyncset.done $0x0  }
0x79: {  	[sflag:s11] =	ssyncadd.s32 $0xFFFFF800  }
0x7a: {  	_ =	swait.ge [sflag:s23], $0x800  }
0x7b: {  	[sflag:s23] =	ssyncset.done $0x0  }
0x7c: {  	[sflag:s23] =	ssyncadd.s32 $0xFFFFF800  }
0x7d: {  	[spmem:s1] =	stream.indirect.scatter.add.f32 [tilespmem:s17], [sflag:$0x7], $0x10, s5, s14, $0xb8;
	[tilespmem:$0x1ED00] =	vst v63  }
0x7e: {  	_ =	swait.ge [sflag:s11], $0x800  }
0x7f: {  	[sflag:s11] =	ssyncset.done $0x0  }
0x80: {  	[sflag:s11] =	ssyncadd.s32 $0xFFFFF800  }
0x81: {  	_ =	swait.ge [sflag:s24], $0x800  }
0x82: {  	[sflag:s24] =	ssyncset.done $0x0  }
0x83: {  	[sflag:s24] =	ssyncadd.s32 $0xFFFFF800  }
0x84: {  	[spmem:s1] =	stream.indirect.scatter.add.f32 [tilespmem:s18], [sflag:$0x7], $0x10, s12, s14, $0xb8;
	[tilespmem:$0x1ED00] =	vst v63  }
0x85: {  	_ =	swait.ge [sflag:s11], $0x800  }
0x86: {  	[sflag:s11] =	ssyncset.done $0x0  }
0x87: {  	[sflag:s11] =	ssyncadd.s32 $0xFFFFF800  }
0x88: {  	_ =	swait.ge [sflag:s26], $0x800  }
0x89: {  	[sflag:s26] =	ssyncset.done $0x0  }
0x8a: {  	[sflag:s26] =	ssyncadd.s32 $0xFFFFF800  }
0x8b: {  	[spmem:s1] =	stream.indirect.scatter.add.f32 [tilespmem:s19], [sflag:$0x7], $0x10, s10, s14, $0xb8;
	[tilespmem:$0x1ED00] =	vst v63  }
0x8c: {  	_ =	swait.ge [sflag:s11], $0x800  }
0x8d: {  	[sflag:s11] =	ssyncset.done $0x0  }
0x8e: {  	[sflag:s11] =	ssyncadd.s32 $0xFFFFF800  }
0x8f: {  	_ =	swait.ge [sflag:s28], $0x800  }
.Ltmp2:
0x90: {  	[sflag:s28] =	ssyncset.done $0x0;
	(pc) =	sbr.rel @p0 .LBB2_6-.Ltmp2, $4  }
0x91: {  	[sflag:s28] =	ssyncadd.s32 $0xFFFFF800  }
0x92: {  	[spmem:s1] =	stream.indirect.scatter.add.f32 [tilespmem:s20], [sflag:$0x7], $0x10, s0, s14, $0xb8;
	[tilespmem:$0x1ED00] =	vst v63  }
0x93: {  	_ =	swait.ge [sflag:s11], $0x800  }
0x94: {  	s10 =	sshra.s32 s31, $0x2;
	s0 =	smov.u32 s30;
	[sflag:s11] =	ssyncset.done $0x0  }
0x95: {  	s0 =	sadd.s32 $0x19280, s10;
	[sflag:s11] =	ssyncadd.s32 $0xFFFFF800  }
0x96: {  	[tilespmem:s15], [sflag:$0x1] =	stream.indirect.gather [hbm4b:s4+s14], $0x10, s0, s14, $0xb8;
	[tilespmem:$0x1ED00] =	vst v63  }
0x97: {  	s2 =	sadd.s32 $0x17000, s10  }
0x98: {  	[tilespmem:s16], [sflag:$0x4] =	stream.indirect.gather [hbm4b:s4+s14], $0x10, s2, s14, $0xb8;
	[tilespmem:$0x1ED00] =	vst v63  }
0x99: {  	s3 =	sadd.s32 $0x19300, s10  }
0x9a: {  	[tilespmem:s17], [sflag:$0x2] =	stream.indirect.gather [hbm4b:s4+s14], $0x10, s3, s14, $0xb8;
	[tilespmem:$0x1ED00] =	vst v63  }
0x9b: {  	s5 =	sadd.s32 $0x17080, s10  }
0x9c: {  	[tilespmem:s18], [sflag:$0x5] =	stream.indirect.gather [hbm4b:s4+s14], $0x10, s5, s14, $0xb8;
	[tilespmem:$0x1ED00] =	vst v63  }
0x9d: {  	s12 =	sadd.s32 $0x19380, s10  }
0x9e: {  	[tilespmem:s19], [sflag:$0x3] =	stream.indirect.gather [hbm4b:s4+s14], $0x10, s12, s14, $0xb8;
	[tilespmem:$0x1ED00] =	vst v63  }
0x9f: {  	s30 =	sadd.s32 $0x17100, s10  }
0xa0: {  	[tilespmem:s20], [sflag:$0x6] =	stream.indirect.gather [hbm4b:s4+s14], $0x10, s30, s14, $0xb8;
	[tilespmem:$0x1ED00] =	vst v63  }
0xa1: {  	_ =	swait.ge [sflag:s21], $0x800  }
0xa2: {  	[sflag:s21] =	ssyncset.done $0x0  }
0xa3: {  	[sflag:s21] =	ssyncadd.s32 $0xFFFFF800  }
0xa4: {  	[spmem:s1] =	stream.indirect.scatter.add.f32 [tilespmem:s15], [sflag:$0x7], $0x10, s2, s14, $0xb8;
	[tilespmem:$0x1ED00] =	vst v63  }
0xa5: {  	_ =	swait.ge [sflag:s11], $0x800  }
0xa6: {  	[sflag:s11] =	ssyncset.done $0x0  }
0xa7: {  	[sflag:s11] =	ssyncadd.s32 $0xFFFFF800  }
0xa8: {  	_ =	swait.ge [sflag:s22], $0x800  }
0xa9: {  	[sflag:s22] =	ssyncset.done $0x0  }
0xaa: {  	[sflag:s22] =	ssyncadd.s32 $0xFFFFF800  }
0xab: {  	[spmem:s1] =	stream.indirect.scatter.add.f32 [tilespmem:s16], [sflag:$0x7], $0x10, s0, s14, $0xb8;
	[tilespmem:$0x1ED00] =	vst v63  }
0xac: {  	_ =	swait.ge [sflag:s11], $0x800  }
0xad: {  	[sflag:s11] =	ssyncset.done $0x0  }
0xae: {  	[sflag:s11] =	ssyncadd.s32 $0xFFFFF800  }
0xaf: {  	_ =	swait.ge [sflag:s23], $0x800  }
0xb0: {  	[sflag:s23] =	ssyncset.done $0x0  }
0xb1: {  	[sflag:s23] =	ssyncadd.s32 $0xFFFFF800  }
0xb2: {  	[spmem:s1] =	stream.indirect.scatter.add.f32 [tilespmem:s17], [sflag:$0x7], $0x10, s5, s14, $0xb8;
	[tilespmem:$0x1ED00] =	vst v63  }
0xb3: {  	_ =	swait.ge [sflag:s11], $0x800  }
0xb4: {  	[sflag:s11] =	ssyncset.done $0x0  }
0xb5: {  	[sflag:s11] =	ssyncadd.s32 $0xFFFFF800  }
0xb6: {  	_ =	swait.ge [sflag:s24], $0x800  }
0xb7: {  	[sflag:s24] =	ssyncset.done $0x0  }
0xb8: {  	[sflag:s24] =	ssyncadd.s32 $0xFFFFF800  }
0xb9: {  	[spmem:s1] =	stream.indirect.scatter.add.f32 [tilespmem:s18], [sflag:$0x7], $0x10, s3, s14, $0xb8;
	[tilespmem:$0x1ED00] =	vst v63  }
0xba: {  	_ =	swait.ge [sflag:s11], $0x800  }
0xbb: {  	[sflag:s11] =	ssyncset.done $0x0  }
0xbc: {  	[sflag:s11] =	ssyncadd.s32 $0xFFFFF800  }
0xbd: {  	_ =	swait.ge [sflag:s26], $0x800  }
0xbe: {  	[sflag:s26] =	ssyncset.done $0x0  }
0xbf: {  	[sflag:s26] =	ssyncadd.s32 $0xFFFFF800  }
0xc0: {  	[spmem:s1] =	stream.indirect.scatter.add.f32 [tilespmem:s19], [sflag:$0x7], $0x10, s30, s14, $0xb8;
	[tilespmem:$0x1ED00] =	vst v63  }
0xc1: {  	_ =	swait.ge [sflag:s11], $0x800  }
0xc2: {  	[sflag:s11] =	ssyncset.done $0x0  }
0xc3: {  	[sflag:s11] =	ssyncadd.s32 $0xFFFFF800  }
0xc4: {  	_ =	swait.ge [sflag:s28], $0x800  }
0xc5: {  	[sflag:s28] =	ssyncset.done $0x0  }
0xc6: {  	[sflag:s28] =	ssyncadd.s32 $0xFFFFF800  }
0xc7: {  	[spmem:s1] =	stream.indirect.scatter.add.f32 [tilespmem:s20], [sflag:$0x7], $0x10, s12, s14, $0xb8;
	[tilespmem:$0x1ED00] =	vst v63  }
0xc8: {  	_ =	swait.ge [sflag:s11], $0x800  }
0xc9: {  	s31 =	stileid.u32;
	s29 =	sadd.s32 $0x1, s29;
	[sflag:s11] =	ssyncset.done $0x0  }
0xca: {  	p0 =	sne.s32 s29, s9;
	s0 =	sshll.u32 s31, $0x6;
	[sflag:s11] =	ssyncadd.s32 $0xFFFFF800  }
.Ltmp3:
0xcb: {  	s0 =	sor.u32 $0x1C07, s0;
	[bflag:$0x0] =	sbarrier.arrive $0xFFFF;
	(pc) =	sbr.rel @p0 .LBB2_1-.Ltmp3, $4  }
0xcc: {  	[hbm:s8], [sflag:s0] =	dma.local [spmem:s25], $0x2E00  }
0xcd: {  	_ =	swait.ge [sflag:s11], $0x2E00  }
0xce: {  	[sflag:s11] =	ssyncset.done $0x0  }
0xcf: {  	[sflag:s11] =	ssyncadd.s32 $0xFFFFD200  }
0xd0: {  	_ =	sfence.sel $0x180000  }
0xd1: {  	[bflag:$0x0] =	sbarrier.arrive $0xFFFF  }
0xd2: {  	_ =	strace $0x90000047  }
0xd3: {  	s0 =	stileid.u32;
	[bflag:$0x2] =	sbarrier.arrive $0xFFFF  }
0xd4: {  	p0 =	sne.s32 s0, $0x0;
	s0 =	rddreg [dreg:$0x2]  }
0xd5: {  	s0 =	sadd.s32 @!p0 $0x100000, s0  }
0xd6: {  	[sflag:s0] =	ssyncadd.tile.s32 @!p0 $0x1;
	_ =	shalt  }
.Lfunc_end2:
_tile_overlayer_lowered:
.L_overlay_start_2:
0xd7: {  	(tag) =	ssettag $0x2  }
0xd8: {  	s0 =	rddreg [dreg:$0x0];
	s2 =	stileid.u32  }
0xd9: {  	s1 =	rddreg [dreg:$0x1];
	p0 =	sne.s32 s2, $0x0  }
0xda: {  	s3 =	rddreg [dreg:$0x2];
	[bflag:$0x3] =	sbarrier.arrive $0xFFFF;
	s2 =	simm.s32 @!p0 $0x1C07  }
0xdb: {  	[timem:s3], [sflag:s2] =	dma.local @!p0 [hbm:s0], s1  }
0xdc: {  	s0 =	simm.s32 @!p0 $0x7  }
0xdd: {  	_ =	swait.ge @!p0 [sflag:s0], s1  }
0xde: {  	s1 =	ssub.s32 @!p0 $0x0, s1;
	[sflag:s0] =	ssyncset.done @!p0 $0x0  }
0xdf: {  	[sflag:s0] =	ssyncadd.s32 @!p0 s1  }
0xe0: {  	[bflag:$0x3] =	sbarrier.arrive $0xFFFF  }
0xe1: {  	_ =	shalt  }

</sc_bundles>
